<compile_context>
chip_gen: v7x
topology: tpu7x:2x2x1
jax: 0.10.2.dev20260603
libtpu: 0.0.44.dev20260713+nightly
codegen_flags: <defaults>
</compile_context>

<pallas_src>
import jax
import jax.numpy as jnp
from jax import lax
from jax.experimental import pallas as pl
from jax.experimental.pallas import tpu as pltpu
from jax.experimental.pallas import tpu_sc as plsc

_NC = 2
_NS = 16
_L = 16


def _log_softmax(x):
    m = jnp.max(x, axis=-1, keepdims=True)
    s = x - m
    return s - jnp.log(jnp.sum(jnp.exp(s), axis=-1, keepdims=True))


def _prep_kernel(tn_ref, pn_ref, tn_out_ref, pn_out_ref):
    tn_out_ref[...] = _log_softmax(tn_ref[...])
    pn = _log_softmax(pn_ref[...])
    v = jax.lax.broadcasted_iota(jnp.int32, pn.shape, 1)
    pn_out_ref[...] = jnp.where(v == 0, 0.0, pn)


def _sc_fanout(tn_hbm, pn_hbm, out_hbm, pn_v, tn_v, ob_v, sems):
    B, T, V = tn_hbm.shape
    U = pn_hbm.shape[1]
    nw = _NC * _NS
    rows = (B * T) // nw
    wpb = T // rows

    c = lax.axis_index("c")
    s = lax.axis_index("s")
    w = s * _NC + c
    b = w // wpb
    t0 = (w % wpb) * rows

    pltpu.sync_copy(pn_hbm.at[b], pn_v)
    pltpu.sync_copy(tn_hbm.at[b, pl.ds(t0, rows)], tn_v)

    def out_copy(slot, t):
        return pltpu.make_async_copy(
            ob_v.at[slot], out_hbm.at[b, t], sems.at[slot]
        )

    def row(i, carry):
        slot = lax.rem(i, 2)

        @pl.when(i >= 2)
        def _():
            out_copy(slot, t0 + i - 2).wait()

        tn_regs = [tn_v[i, pl.ds(j * _L, _L)] for j in range(V // _L)]

        @plsc.parallel_loop(0, U, unroll=8)
        def _(u):
            for j in range(V // _L):
                ob_v[slot, u, pl.ds(j * _L, _L)] = (
                    pn_v[u, pl.ds(j * _L, _L)] + tn_regs[j]
                )
        out_copy(slot, t0 + i).start()
        return carry

    lax.fori_loop(0, rows, row, 0)
    out_copy(0, t0 + rows - 2).wait()
    out_copy(1, t0 + rows - 1).wait()


def kernel(tn_out, pn_out):
    B, T, V = tn_out.shape
    _, U, _ = pn_out.shape
    tn_ls, pn_ls = pl.pallas_call(
        _prep_kernel,
        grid=(B,),
        in_specs=[
            pl.BlockSpec((None, T, V), lambda b: (b, 0, 0)),
            pl.BlockSpec((None, U, V), lambda b: (b, 0, 0)),
        ],
        out_specs=[
            pl.BlockSpec((None, T, V), lambda b: (b, 0, 0)),
            pl.BlockSpec((None, U, V), lambda b: (b, 0, 0)),
        ],
        out_shape=[
            jax.ShapeDtypeStruct((B, T, V), tn_out.dtype),
            jax.ShapeDtypeStruct((B, U, V), pn_out.dtype),
        ],
    )(tn_out, pn_out)

    rows = (B * T) // (_NC * _NS)
    fanout = pl.kernel(
        _sc_fanout,
        out_type=jax.ShapeDtypeStruct((B, T, U, V), tn_out.dtype),
        mesh=plsc.VectorSubcoreMesh(core_axis_name="c", subcore_axis_name="s"),
        scratch_types=[
            pltpu.VMEM((U, V), jnp.float32),
            pltpu.VMEM((rows, V), jnp.float32),
            pltpu.VMEM((2, U, V), jnp.float32),
            pltpu.SemaphoreType.DMA((2,)),
        ],
    )
    return fanout(tn_ls, pn_ls)

# --- scband reference (transcript-rebuilt; emitter-appended) ---
"""Pipeline reference for scband-denormal-joint-net-22462678958222 (READ-ONLY COPY).

The authoritative reference and input builder live on the scoring server;
editing this copy changes nothing except your own understanding.
"""

import jax, jax.numpy as jnp
import numpy as np


def setup_inputs(seed: int = 0) -> dict:
    key = jax.random.key(seed)
    k1, k2 = jax.random.split(key)
    tn_out = jax.random.normal(k1, (4, 512, 256), dtype=jnp.float32)
    pn_out = jax.random.normal(k2, (4, 50, 256), dtype=jnp.float32)
    return {"tn_out": tn_out, "pn_out": pn_out}


def reference(tn_out, pn_out):
    # DenormalJointNet.impl_forward, dense-tensor (non-PackedSequence) branch
    pn = jax.nn.log_softmax(pn_out, axis=-1)
    tn = jax.nn.log_softmax(tn_out, axis=-1)
    # zero out class 0 (<blk>/<eos>) of the prediction network output
    # (equivalent to pn_out[:, :, 0] = 0.0 / the concat-with-zeros variant)
    pn = jnp.concatenate([jnp.zeros(pn.shape[:2] + (1,), dtype=pn.dtype), pn[:, :, 1:]], axis=-1)
    # broadcast-add: pn [B,1,U,V] + tn [B,T,1,V] -> [B,T,U,V]
    out = pn[:, None, :, :] + tn[:, :, None, :]
    return out

if __name__ == "__main__":
    import jax
    _d = setup_inputs()
    print(jax.jit(kernel)(*tuple(_d.values())))

</pallas_src>

<mosaic_0001>
#map = affine_map<(d0, d1) -> (0, 0, 0)>
#map1 = affine_map<(d0, d1) -> (0, 0, 0, 0)>
module attributes {stable_mosaic.version = 14 : i64} {
  func.func @_sc_fanout(%arg0: i32, %arg1: i32, %arg2: memref<4x512x256xf32, #tpu.memory_space<hbm>>, %arg3: memref<4x50x256xf32, #tpu.memory_space<hbm>>, %arg4: memref<4x512x50x256xf32, #tpu.memory_space<hbm>>, %arg5: memref<50x256xf32, #tpu.memory_space<vmem>>, %arg6: memref<64x256xf32, #tpu.memory_space<vmem>>, %arg7: memref<2x50x256xf32, #tpu.memory_space<vmem>>, %arg8: memref<2x!tpu.dma_semaphore, #tpu.memory_space<semaphore_mem>>) attributes {dimension_semantics = [#tpu.dimension_semantics<core_parallel>, #tpu.dimension_semantics<subcore_parallel>], iteration_bounds = array<i64: 2, 16>, scalar_prefetch = 0 : i64, scratch_operands = 4 : i64, tpu.core_type = #tpu.core_type<sc_vector_subcore>, window_params = [{transform_indices = #map}, {transform_indices = #map}, {transform_indices = #map1}]} {
    %mul3A = arith.constant 2 : i32
    %mul3A_0 = arith.muli %arg1, %mul3A : i32
    %add3A = arith.addi %mul3A_0, %arg0 : i32
    %jit3A = arith.constant 8 : i32
    %div3A = arith.divsi %add3A, %jit3A : i32
    %sign3A = arith.constant 0 : i32
    %sign3A_1 = arith.cmpi sgt, %add3A, %sign3A : i32
    %sign3A_2 = arith.extui %sign3A_1 : i1 to i32
    %sign3A_3 = arith.constant 0 : i32
    %sign3A_4 = arith.cmpi slt, %add3A, %sign3A_3 : i32
    %sign3A_5 = arith.extui %sign3A_4 : i1 to i32
    %sign3A_6 = arith.subi %sign3A_2, %sign3A_5 : i32
    %sign3A_7 = arith.constant 0 : i32
    %sign3A_8 = arith.cmpi sgt, %jit3A, %sign3A_7 : i32
    %sign3A_9 = arith.extui %sign3A_8 : i1 to i32
    %sign3A_10 = arith.constant 0 : i32
    %sign3A_11 = arith.cmpi slt, %jit3A, %sign3A_10 : i32
    %sign3A_12 = arith.extui %sign3A_11 : i1 to i32
    %sign3A_13 = arith.subi %sign3A_9, %sign3A_12 : i32
    %ne3A = arith.cmpi ne, %sign3A_6, %sign3A_13 : i32
    %rem3A = arith.remsi %add3A, %jit3A : i32
    %ne3A_14 = arith.constant 0 : i32
    %ne3A_15 = arith.cmpi ne, %rem3A, %ne3A_14 : i32
    %and3A = arith.andi %ne3A, %ne3A_15 : i1
    %sub3A = arith.constant 1 : i32
    %sub3A_16 = arith.subi %div3A, %sub3A : i32
    %select_n3A = arith.select %and3A, %sub3A_16, %div3A : i32
    %jit3A_17 = arith.constant 8 : i32
    %eq3A = arith.constant 0 : i32
    %eq3A_18 = arith.cmpi eq, %jit3A_17, %eq3A : i32
    %jit3A_19 = arith.constant 1 : i32
    %select_n3A_20 = arith.select %eq3A_18, %jit3A_19, %jit3A_17 : i32
    %rem3A_21 = arith.remsi %add3A, %select_n3A_20 : i32
    %ne3A_22 = arith.constant 0 : i32
    %ne3A_23 = arith.cmpi ne, %rem3A_21, %ne3A_22 : i32
    %lt3A = arith.constant 0 : i32
    %lt3A_24 = arith.cmpi slt, %rem3A_21, %lt3A : i32
    %lt3A_25 = arith.constant 0 : i32
    %lt3A_26 = arith.cmpi slt, %select_n3A_20, %lt3A_25 : i32
    %ne3A_27 = arith.xori %lt3A_24, %lt3A_26 : i1
    %and3A_28 = arith.andi %ne3A_27, %ne3A_23 : i1
    %add3A_29 = arith.addi %rem3A_21, %select_n3A_20 : i32
    %select_n3A_30 = arith.select %and3A_28, %add3A_29, %rem3A_21 : i32
    %mul3A_31 = arith.constant 64 : i32
    %mul3A_32 = arith.muli %select_n3A_30, %mul3A_31 : i32
    "tpu.region"() ({
      %run_scoped3A = tpu.sem_alloc : memref<!tpu.dma_semaphore, #tpu.memory_space<semaphore_mem>>
      %dma_start3A = arith.constant 0 : i32
      %dma_start3A_85 = arith.constant 0 : i32
      %dma_start3A_86 = tpu.memref_slice %arg3[%select_n3A, %dma_start3A, %dma_start3A_85] : memref<4x50x256xf32, #tpu.memory_space<hbm>> -> memref<1x50x256xf32, #tpu.memory_space<hbm>>
      %dma_start3A_87 = tpu.memref_squeeze %dma_start3A_86 : memref<1x50x256xf32, #tpu.memory_space<hbm>> -> memref<50x256xf32, #tpu.memory_space<hbm>>
      %dma_start3A_88 = arith.constant 0 : i32
      %dma_start3A_89 = arith.constant 0 : i32
      %dma_start3A_90 = tpu.memref_slice %arg3[%select_n3A, %dma_start3A_88, %dma_start3A_89] : memref<4x50x256xf32, #tpu.memory_space<hbm>> -> memref<1x50x256xf32, #tpu.memory_space<hbm>>
      %dma_start3A_91 = tpu.memref_squeeze %dma_start3A_90 : memref<1x50x256xf32, #tpu.memory_space<hbm>> -> memref<50x256xf32, #tpu.memory_space<hbm>>
      tpu.enqueue_dma source(%dma_start3A_91 : memref<50x256xf32, #tpu.memory_space<hbm>>) target(%arg5 : memref<50x256xf32, #tpu.memory_space<vmem>>) target_semaphore(%run_scoped3A : memref<!tpu.dma_semaphore, #tpu.memory_space<semaphore_mem>>)
      %dma_wait3A_92 = arith.constant 0 : i32
      %dma_wait3A_93 = arith.constant 0 : i32
      %dma_wait3A_94 = tpu.memref_slice %arg3[%select_n3A, %dma_wait3A_92, %dma_wait3A_93] : memref<4x50x256xf32, #tpu.memory_space<hbm>> -> memref<1x50x256xf32, #tpu.memory_space<hbm>>
      %dma_wait3A_95 = tpu.memref_squeeze %dma_wait3A_94 : memref<1x50x256xf32, #tpu.memory_space<hbm>> -> memref<50x256xf32, #tpu.memory_space<hbm>>
      %dma_wait3A_96 = arith.constant 0 : i32
      %dma_wait3A_97 = arith.constant 0 : i32
      %dma_wait3A_98 = tpu.memref_slice %arg3[%select_n3A, %dma_wait3A_96, %dma_wait3A_97] : memref<4x50x256xf32, #tpu.memory_space<hbm>> -> memref<1x50x256xf32, #tpu.memory_space<hbm>>
      %dma_wait3A_99 = tpu.memref_squeeze %dma_wait3A_98 : memref<1x50x256xf32, #tpu.memory_space<hbm>> -> memref<50x256xf32, #tpu.memory_space<hbm>>
      tpu.wait_dma2 semaphore(%run_scoped3A : memref<!tpu.dma_semaphore, #tpu.memory_space<semaphore_mem>>) src(%dma_wait3A_99 : memref<50x256xf32, #tpu.memory_space<hbm>>) dst(%arg5 : memref<50x256xf32, #tpu.memory_space<vmem>>)
      tpu.yield
    }) : () -> ()
    "tpu.region"() ({
      %run_scoped3A = tpu.sem_alloc : memref<!tpu.dma_semaphore, #tpu.memory_space<semaphore_mem>>
      %dma_start3A = arith.constant 0 : i32
      %dma_start3A_85 = tpu.memref_slice %arg2[%select_n3A, %mul3A_32, %dma_start3A] : memref<4x512x256xf32, #tpu.memory_space<hbm>> -> memref<1x64x256xf32, #tpu.memory_space<hbm>>
      %dma_start3A_86 = tpu.memref_squeeze %dma_start3A_85 : memref<1x64x256xf32, #tpu.memory_space<hbm>> -> memref<64x256xf32, #tpu.memory_space<hbm>>
      %dma_start3A_87 = arith.constant 0 : i32
      %dma_start3A_88 = tpu.memref_slice %arg2[%select_n3A, %mul3A_32, %dma_start3A_87] : memref<4x512x256xf32, #tpu.memory_space<hbm>> -> memref<1x64x256xf32, #tpu.memory_space<hbm>>
      %dma_start3A_89 = tpu.memref_squeeze %dma_start3A_88 : memref<1x64x256xf32, #tpu.memory_space<hbm>> -> memref<64x256xf32, #tpu.memory_space<hbm>>
      tpu.enqueue_dma source(%dma_start3A_89 : memref<64x256xf32, #tpu.memory_space<hbm>>) target(%arg6 : memref<64x256xf32, #tpu.memory_space<vmem>>) target_semaphore(%run_scoped3A : memref<!tpu.dma_semaphore, #tpu.memory_space<semaphore_mem>>)
      %dma_wait3A_90 = arith.constant 0 : i32
      %dma_wait3A_91 = tpu.memref_slice %arg2[%select_n3A, %mul3A_32, %dma_wait3A_90] : memref<4x512x256xf32, #tpu.memory_space<hbm>> -> memref<1x64x256xf32, #tpu.memory_space<hbm>>
      %dma_wait3A_92 = tpu.memref_squeeze %dma_wait3A_91 : memref<1x64x256xf32, #tpu.memory_space<hbm>> -> memref<64x256xf32, #tpu.memory_space<hbm>>
      %dma_wait3A_93 = arith.constant 0 : i32
      %dma_wait3A_94 = tpu.memref_slice %arg2[%select_n3A, %mul3A_32, %dma_wait3A_93] : memref<4x512x256xf32, #tpu.memory_space<hbm>> -> memref<1x64x256xf32, #tpu.memory_space<hbm>>
      %dma_wait3A_95 = tpu.memref_squeeze %dma_wait3A_94 : memref<1x64x256xf32, #tpu.memory_space<hbm>> -> memref<64x256xf32, #tpu.memory_space<hbm>>
      tpu.wait_dma2 semaphore(%run_scoped3A : memref<!tpu.dma_semaphore, #tpu.memory_space<semaphore_mem>>) src(%dma_wait3A_95 : memref<64x256xf32, #tpu.memory_space<hbm>>) dst(%arg6 : memref<64x256xf32, #tpu.memory_space<vmem>>)
      tpu.yield
    }) : () -> ()
    %scan3A = arith.constant 0 : i32
    %scan3A_33 = arith.constant 0 : i32
    %scan3A_34 = arith.constant 64 : i32
    %scan3A_35 = arith.addi %scan3A_33, %scan3A_34 : i32
    %scan3A_36 = arith.constant 1 : i32
    scf.for %scan3A_85 = %scan3A_33 to %scan3A_35 step %scan3A_36  : i32 {
      %rem3A_86 = arith.constant 2 : i32
      %rem3A_87 = arith.remsi %scan3A_85, %rem3A_86 : i32
      %ge3A = arith.constant 2 : i32
      %ge3A_88 = arith.cmpi sge, %scan3A_85, %ge3A : i32
      %convert_element_type3A = arith.extui %ge3A_88 : i1 to i32
      %cond3A = arith.constant 0 : i32
      %cond3A_89 = arith.cmpi ne, %convert_element_type3A, %cond3A : i32
      scf.if %cond3A_89 {
        %add3A_173 = arith.addi %mul3A_32, %scan3A_85 : i32
        %sub3A_174 = arith.constant 2 : i32
        %sub3A_175 = arith.subi %add3A_173, %sub3A_174 : i32
        %dma_wait3A_176 = arith.constant 0 : i32
        %dma_wait3A_177 = arith.constant 0 : i32
        %dma_wait3A_178 = tpu.memref_slice %arg7[%rem3A_87, %dma_wait3A_176, %dma_wait3A_177] : memref<2x50x256xf32, #tpu.memory_space<vmem>> -> memref<1x50x256xf32, #tpu.memory_space<vmem>>
        %dma_wait3A_179 = tpu.memref_squeeze %dma_wait3A_178 : memref<1x50x256xf32, #tpu.memory_space<vmem>> -> memref<50x256xf32, #tpu.memory_space<vmem>>
        %dma_wait3A_180 = arith.constant 0 : i32
        %dma_wait3A_181 = arith.constant 0 : i32
        %dma_wait3A_182 = tpu.memref_slice %arg4[%select_n3A, %sub3A_175, %dma_wait3A_180, %dma_wait3A_181] : memref<4x512x50x256xf32, #tpu.memory_space<hbm>> -> memref<1x1x50x256xf32, #tpu.memory_space<hbm>>
        %dma_wait3A_183 = tpu.memref_squeeze %dma_wait3A_182 : memref<1x1x50x256xf32, #tpu.memory_space<hbm>> -> memref<50x256xf32, #tpu.memory_space<hbm>>
        %dma_wait3A_184 = tpu.memref_slice %arg8[%rem3A_87] : memref<2x!tpu.dma_semaphore, #tpu.memory_space<semaphore_mem>> -> memref<1x!tpu.dma_semaphore, #tpu.memory_space<semaphore_mem>>
        %dma_wait3A_185 = tpu.memref_squeeze %dma_wait3A_184 : memref<1x!tpu.dma_semaphore, #tpu.memory_space<semaphore_mem>> -> memref<!tpu.dma_semaphore, #tpu.memory_space<semaphore_mem>>
        %dma_wait3A_186 = arith.constant 0 : i32
        %dma_wait3A_187 = arith.constant 0 : i32
        %dma_wait3A_188 = tpu.memref_slice %arg4[%select_n3A, %sub3A_175, %dma_wait3A_186, %dma_wait3A_187] : memref<4x512x50x256xf32, #tpu.memory_space<hbm>> -> memref<1x1x50x256xf32, #tpu.memory_space<hbm>>
        %dma_wait3A_189 = tpu.memref_squeeze %dma_wait3A_188 : memref<1x1x50x256xf32, #tpu.memory_space<hbm>> -> memref<50x256xf32, #tpu.memory_space<hbm>>
        %dma_wait3A_190 = arith.constant 0 : i32
        %dma_wait3A_191 = arith.constant 0 : i32
        %dma_wait3A_192 = tpu.memref_slice %arg7[%rem3A_87, %dma_wait3A_190, %dma_wait3A_191] : memref<2x50x256xf32, #tpu.memory_space<vmem>> -> memref<1x50x256xf32, #tpu.memory_space<vmem>>
        %dma_wait3A_193 = tpu.memref_squeeze %dma_wait3A_192 : memref<1x50x256xf32, #tpu.memory_space<vmem>> -> memref<50x256xf32, #tpu.memory_space<vmem>>
        tpu.wait_dma2 semaphore(%dma_wait3A_185 : memref<!tpu.dma_semaphore, #tpu.memory_space<semaphore_mem>>) src(%dma_wait3A_193 : memref<50x256xf32, #tpu.memory_space<vmem>>) dst(%dma_wait3A_189 : memref<50x256xf32, #tpu.memory_space<hbm>>)
      } else {
      }
      %get3A = arith.index_cast %scan3A_85 : i32 to index
      %get3A_90 = arith.constant 0 : index
      %get3A_91 = tpu.vector_load %arg6[%get3A, %get3A_90] {strides = array<i32>} : memref<64x256xf32, #tpu.memory_space<vmem>>, vector<1x16xf32>,
      %get3A_92 = vector.shape_cast %get3A_91 : vector<1x16xf32> to vector<16xf32>
      %get3A_93 = arith.index_cast %scan3A_85 : i32 to index
      %get3A_94 = arith.constant 16 : index
      %get3A_95 = tpu.vector_load %arg6[%get3A_93, %get3A_94] {strides = array<i32>} : memref<64x256xf32, #tpu.memory_space<vmem>>, vector<1x16xf32>,
      %get3A_96 = vector.shape_cast %get3A_95 : vector<1x16xf32> to vector<16xf32>
      %get3A_97 = arith.index_cast %scan3A_85 : i32 to index
      %get3A_98 = arith.constant 32 : index
      %get3A_99 = tpu.vector_load %arg6[%get3A_97, %get3A_98] {strides = array<i32>} : memref<64x256xf32, #tpu.memory_space<vmem>>, vector<1x16xf32>,
      %get3A_100 = vector.shape_cast %get3A_99 : vector<1x16xf32> to vector<16xf32>
      %get3A_101 = arith.index_cast %scan3A_85 : i32 to index
      %get3A_102 = arith.constant 48 : index
      %get3A_103 = tpu.vector_load %arg6[%get3A_101, %get3A_102] {strides = array<i32>} : memref<64x256xf32, #tpu.memory_space<vmem>>, vector<1x16xf32>,
      %get3A_104 = vector.shape_cast %get3A_103 : vector<1x16xf32> to vector<16xf32>
      %get3A_105 = arith.index_cast %scan3A_85 : i32 to index
      %get3A_106 = arith.constant 64 : index
      %get3A_107 = tpu.vector_load %arg6[%get3A_105, %get3A_106] {strides = array<i32>} : memref<64x256xf32, #tpu.memory_space<vmem>>, vector<1x16xf32>,
      %get3A_108 = vector.shape_cast %get3A_107 : vector<1x16xf32> to vector<16xf32>
      %get3A_109 = arith.index_cast %scan3A_85 : i32 to index
      %get3A_110 = arith.constant 80 : index
      %get3A_111 = tpu.vector_load %arg6[%get3A_109, %get3A_110] {strides = array<i32>} : memref<64x256xf32, #tpu.memory_space<vmem>>, vector<1x16xf32>,
      %get3A_112 = vector.shape_cast %get3A_111 : vector<1x16xf32> to vector<16xf32>
      %get3A_113 = arith.index_cast %scan3A_85 : i32 to index
      %get3A_114 = arith.constant 96 : index
      %get3A_115 = tpu.vector_load %arg6[%get3A_113, %get3A_114] {strides = array<i32>} : memref<64x256xf32, #tpu.memory_space<vmem>>, vector<1x16xf32>,
      %get3A_116 = vector.shape_cast %get3A_115 : vector<1x16xf32> to vector<16xf32>
      %get3A_117 = arith.index_cast %scan3A_85 : i32 to index
      %get3A_118 = arith.constant 112 : index
      %get3A_119 = tpu.vector_load %arg6[%get3A_117, %get3A_118] {strides = array<i32>} : memref<64x256xf32, #tpu.memory_space<vmem>>, vector<1x16xf32>,
      %get3A_120 = vector.shape_cast %get3A_119 : vector<1x16xf32> to vector<16xf32>
      %get3A_121 = arith.index_cast %scan3A_85 : i32 to index
      %get3A_122 = arith.constant 128 : index
      %get3A_123 = tpu.vector_load %arg6[%get3A_121, %get3A_122] {strides = array<i32>} : memref<64x256xf32, #tpu.memory_space<vmem>>, vector<1x16xf32>,
      %get3A_124 = vector.shape_cast %get3A_123 : vector<1x16xf32> to vector<16xf32>
      %get3A_125 = arith.index_cast %scan3A_85 : i32 to index
      %get3A_126 = arith.constant 144 : index
      %get3A_127 = tpu.vector_load %arg6[%get3A_125, %get3A_126] {strides = array<i32>} : memref<64x256xf32, #tpu.memory_space<vmem>>, vector<1x16xf32>,
      %get3A_128 = vector.shape_cast %get3A_127 : vector<1x16xf32> to vector<16xf32>
      %get3A_129 = arith.index_cast %scan3A_85 : i32 to index
      %get3A_130 = arith.constant 160 : index
      %get3A_131 = tpu.vector_load %arg6[%get3A_129, %get3A_130] {strides = array<i32>} : memref<64x256xf32, #tpu.memory_space<vmem>>, vector<1x16xf32>,
      %get3A_132 = vector.shape_cast %get3A_131 : vector<1x16xf32> to vector<16xf32>
      %get3A_133 = arith.index_cast %scan3A_85 : i32 to index
      %get3A_134 = arith.constant 176 : index
      %get3A_135 = tpu.vector_load %arg6[%get3A_133, %get3A_134] {strides = array<i32>} : memref<64x256xf32, #tpu.memory_space<vmem>>, vector<1x16xf32>,
      %get3A_136 = vector.shape_cast %get3A_135 : vector<1x16xf32> to vector<16xf32>
      %get3A_137 = arith.index_cast %scan3A_85 : i32 to index
      %get3A_138 = arith.constant 192 : index
      %get3A_139 = tpu.vector_load %arg6[%get3A_137, %get3A_138] {strides = array<i32>} : memref<64x256xf32, #tpu.memory_space<vmem>>, vector<1x16xf32>,
      %get3A_140 = vector.shape_cast %get3A_139 : vector<1x16xf32> to vector<16xf32>
      %get3A_141 = arith.index_cast %scan3A_85 : i32 to index
      %get3A_142 = arith.constant 208 : index
      %get3A_143 = tpu.vector_load %arg6[%get3A_141, %get3A_142] {strides = array<i32>} : memref<64x256xf32, #tpu.memory_space<vmem>>, vector<1x16xf32>,
      %get3A_144 = vector.shape_cast %get3A_143 : vector<1x16xf32> to vector<16xf32>
      %get3A_145 = arith.index_cast %scan3A_85 : i32 to index
      %get3A_146 = arith.constant 224 : index
      %get3A_147 = tpu.vector_load %arg6[%get3A_145, %get3A_146] {strides = array<i32>} : memref<64x256xf32, #tpu.memory_space<vmem>>, vector<1x16xf32>,
      %get3A_148 = vector.shape_cast %get3A_147 : vector<1x16xf32> to vector<16xf32>
      %get3A_149 = arith.index_cast %scan3A_85 : i32 to index
      %get3A_150 = arith.constant 240 : index
      %get3A_151 = tpu.vector_load %arg6[%get3A_149, %get3A_150] {strides = array<i32>} : memref<64x256xf32, #tpu.memory_space<vmem>>, vector<1x16xf32>,
      %get3A_152 = vector.shape_cast %get3A_151 : vector<1x16xf32> to vector<16xf32>
      %parallel_loop3A = arith.constant 0 : i32
      %parallel_loop3A_153 = arith.constant 50 : i32
      %parallel_loop3A_154 = arith.constant 1 : i32
      scf.for %parallel_loop3A_173 = %parallel_loop3A to %parallel_loop3A_153 step %parallel_loop3A_154  : i32 {
        %parallel_loop3A_174 = arith.index_cast %parallel_loop3A_173 : i32 to index
        %parallel_loop3A_175 = arith.constant 0 : index
        %parallel_loop3A_176 = tpu.vector_load %arg5[%parallel_loop3A_174, %parallel_loop3A_175] {strides = array<i32>} : memref<50x256xf32, #tpu.memory_space<vmem>>, vector<1x16xf32>,
        %parallel_loop3A_177 = vector.shape_cast %parallel_loop3A_176 : vector<1x16xf32> to vector<16xf32>
        %parallel_loop3A_178 = arith.addf %parallel_loop3A_177, %get3A_92 : vector<16xf32>
        %parallel_loop3A_179 = arith.index_cast %rem3A_87 : i32 to index
        %parallel_loop3A_180 = arith.index_cast %parallel_loop3A_173 : i32 to index
        %parallel_loop3A_181 = arith.constant 0 : index
        %parallel_loop3A_182 = tpu.vector_load %arg7[%parallel_loop3A_179, %parallel_loop3A_180, %parallel_loop3A_181] {strides = array<i32>} : memref<2x50x256xf32, #tpu.memory_space<vmem>>, vector<1x1x16xf32>,
        %parallel_loop3A_183 = vector.shape_cast %parallel_loop3A_182 : vector<1x1x16xf32> to vector<16xf32>
        %parallel_loop3A_184 = vector.shape_cast %parallel_loop3A_178 : vector<16xf32> to vector<1x1x16xf32>
        tpu.vector_store %arg7[%parallel_loop3A_179, %parallel_loop3A_180, %parallel_loop3A_181], %parallel_loop3A_184 {strides = array<i32>} : memref<2x50x256xf32, #tpu.memory_space<vmem>>, vector<1x1x16xf32>,
        %parallel_loop3A_185 = arith.index_cast %parallel_loop3A_173 : i32 to index
        %parallel_loop3A_186 = arith.constant 16 : index
        %parallel_loop3A_187 = tpu.vector_load %arg5[%parallel_loop3A_185, %parallel_loop3A_186] {strides = array<i32>} : memref<50x256xf32, #tpu.memory_space<vmem>>, vector<1x16xf32>,
        %parallel_loop3A_188 = vector.shape_cast %parallel_loop3A_187 : vector<1x16xf32> to vector<16xf32>
        %parallel_loop3A_189 = arith.addf %parallel_loop3A_188, %get3A_96 : vector<16xf32>
        %parallel_loop3A_190 = arith.index_cast %rem3A_87 : i32 to index
        %parallel_loop3A_191 = arith.index_cast %parallel_loop3A_173 : i32 to index
        %parallel_loop3A_192 = arith.constant 16 : index
        %parallel_loop3A_193 = tpu.vector_load %arg7[%parallel_loop3A_190, %parallel_loop3A_191, %parallel_loop3A_192] {strides = array<i32>} : memref<2x50x256xf32, #tpu.memory_space<vmem>>, vector<1x1x16xf32>,
        %parallel_loop3A_194 = vector.shape_cast %parallel_loop3A_193 : vector<1x1x16xf32> to vector<16xf32>
        %parallel_loop3A_195 = vector.shape_cast %parallel_loop3A_189 : vector<16xf32> to vector<1x1x16xf32>
        tpu.vector_store %arg7[%parallel_loop3A_190, %parallel_loop3A_191, %parallel_loop3A_192], %parallel_loop3A_195 {strides = array<i32>} : memref<2x50x256xf32, #tpu.memory_space<vmem>>, vector<1x1x16xf32>,
        %parallel_loop3A_196 = arith.index_cast %parallel_loop3A_173 : i32 to index
        %parallel_loop3A_197 = arith.constant 32 : index
        %parallel_loop3A_198 = tpu.vector_load %arg5[%parallel_loop3A_196, %parallel_loop3A_197] {strides = array<i32>} : memref<50x256xf32, #tpu.memory_space<vmem>>, vector<1x16xf32>,
        %parallel_loop3A_199 = vector.shape_cast %parallel_loop3A_198 : vector<1x16xf32> to vector<16xf32>
        %parallel_loop3A_200 = arith.addf %parallel_loop3A_199, %get3A_100 : vector<16xf32>
        %parallel_loop3A_201 = arith.index_cast %rem3A_87 : i32 to index
        %parallel_loop3A_202 = arith.index_cast %parallel_loop3A_173 : i32 to index
        %parallel_loop3A_203 = arith.constant 32 : index
        %parallel_loop3A_204 = tpu.vector_load %arg7[%parallel_loop3A_201, %parallel_loop3A_202, %parallel_loop3A_203] {strides = array<i32>} : memref<2x50x256xf32, #tpu.memory_space<vmem>>, vector<1x1x16xf32>,
        %parallel_loop3A_205 = vector.shape_cast %parallel_loop3A_204 : vector<1x1x16xf32> to vector<16xf32>
        %parallel_loop3A_206 = vector.shape_cast %parallel_loop3A_200 : vector<16xf32> to vector<1x1x16xf32>
        tpu.vector_store %arg7[%parallel_loop3A_201, %parallel_loop3A_202, %parallel_loop3A_203], %parallel_loop3A_206 {strides = array<i32>} : memref<2x50x256xf32, #tpu.memory_space<vmem>>, vector<1x1x16xf32>,
        %parallel_loop3A_207 = arith.index_cast %parallel_loop3A_173 : i32 to index
        %parallel_loop3A_208 = arith.constant 48 : index
        %parallel_loop3A_209 = tpu.vector_load %arg5[%parallel_loop3A_207, %parallel_loop3A_208] {strides = array<i32>} : memref<50x256xf32, #tpu.memory_space<vmem>>, vector<1x16xf32>,
        %parallel_loop3A_210 = vector.shape_cast %parallel_loop3A_209 : vector<1x16xf32> to vector<16xf32>
        %parallel_loop3A_211 = arith.addf %parallel_loop3A_210, %get3A_104 : vector<16xf32>
        %parallel_loop3A_212 = arith.index_cast %rem3A_87 : i32 to index
        %parallel_loop3A_213 = arith.index_cast %parallel_loop3A_173 : i32 to index
        %parallel_loop3A_214 = arith.constant 48 : index
        %parallel_loop3A_215 = tpu.vector_load %arg7[%parallel_loop3A_212, %parallel_loop3A_213, %parallel_loop3A_214] {strides = array<i32>} : memref<2x50x256xf32, #tpu.memory_space<vmem>>, vector<1x1x16xf32>,
        %parallel_loop3A_216 = vector.shape_cast %parallel_loop3A_215 : vector<1x1x16xf32> to vector<16xf32>
        %parallel_loop3A_217 = vector.shape_cast %parallel_loop3A_211 : vector<16xf32> to vector<1x1x16xf32>
        tpu.vector_store %arg7[%parallel_loop3A_212, %parallel_loop3A_213, %parallel_loop3A_214], %parallel_loop3A_217 {strides = array<i32>} : memref<2x50x256xf32, #tpu.memory_space<vmem>>, vector<1x1x16xf32>,
        %parallel_loop3A_218 = arith.index_cast %parallel_loop3A_173 : i32 to index
        %parallel_loop3A_219 = arith.constant 64 : index
        %parallel_loop3A_220 = tpu.vector_load %arg5[%parallel_loop3A_218, %parallel_loop3A_219] {strides = array<i32>} : memref<50x256xf32, #tpu.memory_space<vmem>>, vector<1x16xf32>,
        %parallel_loop3A_221 = vector.shape_cast %parallel_loop3A_220 : vector<1x16xf32> to vector<16xf32>
        %parallel_loop3A_222 = arith.addf %parallel_loop3A_221, %get3A_108 : vector<16xf32>
        %parallel_loop3A_223 = arith.index_cast %rem3A_87 : i32 to index
        %parallel_loop3A_224 = arith.index_cast %parallel_loop3A_173 : i32 to index
        %parallel_loop3A_225 = arith.constant 64 : index
        %parallel_loop3A_226 = tpu.vector_load %arg7[%parallel_loop3A_223, %parallel_loop3A_224, %parallel_loop3A_225] {strides = array<i32>} : memref<2x50x256xf32, #tpu.memory_space<vmem>>, vector<1x1x16xf32>,
        %parallel_loop3A_227 = vector.shape_cast %parallel_loop3A_226 : vector<1x1x16xf32> to vector<16xf32>
        %parallel_loop3A_228 = vector.shape_cast %parallel_loop3A_222 : vector<16xf32> to vector<1x1x16xf32>
        tpu.vector_store %arg7[%parallel_loop3A_223, %parallel_loop3A_224, %parallel_loop3A_225], %parallel_loop3A_228 {strides = array<i32>} : memref<2x50x256xf32, #tpu.memory_space<vmem>>, vector<1x1x16xf32>,
        %parallel_loop3A_229 = arith.index_cast %parallel_loop3A_173 : i32 to index
        %parallel_loop3A_230 = arith.constant 80 : index
        %parallel_loop3A_231 = tpu.vector_load %arg5[%parallel_loop3A_229, %parallel_loop3A_230] {strides = array<i32>} : memref<50x256xf32, #tpu.memory_space<vmem>>, vector<1x16xf32>,
        %parallel_loop3A_232 = vector.shape_cast %parallel_loop3A_231 : vector<1x16xf32> to vector<16xf32>
        %parallel_loop3A_233 = arith.addf %parallel_loop3A_232, %get3A_112 : vector<16xf32>
        %parallel_loop3A_234 = arith.index_cast %rem3A_87 : i32 to index
        %parallel_loop3A_235 = arith.index_cast %parallel_loop3A_173 : i32 to index
        %parallel_loop3A_236 = arith.constant 80 : index
        %parallel_loop3A_237 = tpu.vector_load %arg7[%parallel_loop3A_234, %parallel_loop3A_235, %parallel_loop3A_236] {strides = array<i32>} : memref<2x50x256xf32, #tpu.memory_space<vmem>>, vector<1x1x16xf32>,
        %parallel_loop3A_238 = vector.shape_cast %parallel_loop3A_237 : vector<1x1x16xf32> to vector<16xf32>
        %parallel_loop3A_239 = vector.shape_cast %parallel_loop3A_233 : vector<16xf32> to vector<1x1x16xf32>
        tpu.vector_store %arg7[%parallel_loop3A_234, %parallel_loop3A_235, %parallel_loop3A_236], %parallel_loop3A_239 {strides = array<i32>} : memref<2x50x256xf32, #tpu.memory_space<vmem>>, vector<1x1x16xf32>,
        %parallel_loop3A_240 = arith.index_cast %parallel_loop3A_173 : i32 to index
        %parallel_loop3A_241 = arith.constant 96 : index
        %parallel_loop3A_242 = tpu.vector_load %arg5[%parallel_loop3A_240, %parallel_loop3A_241] {strides = array<i32>} : memref<50x256xf32, #tpu.memory_space<vmem>>, vector<1x16xf32>,
        %parallel_loop3A_243 = vector.shape_cast %parallel_loop3A_242 : vector<1x16xf32> to vector<16xf32>
        %parallel_loop3A_244 = arith.addf %parallel_loop3A_243, %get3A_116 : vector<16xf32>
        %parallel_loop3A_245 = arith.index_cast %rem3A_87 : i32 to index
        %parallel_loop3A_246 = arith.index_cast %parallel_loop3A_173 : i32 to index
        %parallel_loop3A_247 = arith.constant 96 : index
        %parallel_loop3A_248 = tpu.vector_load %arg7[%parallel_loop3A_245, %parallel_loop3A_246, %parallel_loop3A_247] {strides = array<i32>} : memref<2x50x256xf32, #tpu.memory_space<vmem>>, vector<1x1x16xf32>,
        %parallel_loop3A_249 = vector.shape_cast %parallel_loop3A_248 : vector<1x1x16xf32> to vector<16xf32>
        %parallel_loop3A_250 = vector.shape_cast %parallel_loop3A_244 : vector<16xf32> to vector<1x1x16xf32>
        tpu.vector_store %arg7[%parallel_loop3A_245, %parallel_loop3A_246, %parallel_loop3A_247], %parallel_loop3A_250 {strides = array<i32>} : memref<2x50x256xf32, #tpu.memory_space<vmem>>, vector<1x1x16xf32>,
        %parallel_loop3A_251 = arith.index_cast %parallel_loop3A_173 : i32 to index
        %parallel_loop3A_252 = arith.constant 112 : index
        %parallel_loop3A_253 = tpu.vector_load %arg5[%parallel_loop3A_251, %parallel_loop3A_252] {strides = array<i32>} : memref<50x256xf32, #tpu.memory_space<vmem>>, vector<1x16xf32>,
        %parallel_loop3A_254 = vector.shape_cast %parallel_loop3A_253 : vector<1x16xf32> to vector<16xf32>
        %parallel_loop3A_255 = arith.addf %parallel_loop3A_254, %get3A_120 : vector<16xf32>
        %parallel_loop3A_256 = arith.index_cast %rem3A_87 : i32 to index
        %parallel_loop3A_257 = arith.index_cast %parallel_loop3A_173 : i32 to index
        %parallel_loop3A_258 = arith.constant 112 : index
        %parallel_loop3A_259 = tpu.vector_load %arg7[%parallel_loop3A_256, %parallel_loop3A_257, %parallel_loop3A_258] {strides = array<i32>} : memref<2x50x256xf32, #tpu.memory_space<vmem>>, vector<1x1x16xf32>,
        %parallel_loop3A_260 = vector.shape_cast %parallel_loop3A_259 : vector<1x1x16xf32> to vector<16xf32>
        %parallel_loop3A_261 = vector.shape_cast %parallel_loop3A_255 : vector<16xf32> to vector<1x1x16xf32>
        tpu.vector_store %arg7[%parallel_loop3A_256, %parallel_loop3A_257, %parallel_loop3A_258], %parallel_loop3A_261 {strides = array<i32>} : memref<2x50x256xf32, #tpu.memory_space<vmem>>, vector<1x1x16xf32>,
        %parallel_loop3A_262 = arith.index_cast %parallel_loop3A_173 : i32 to index
        %parallel_loop3A_263 = arith.constant 128 : index
        %parallel_loop3A_264 = tpu.vector_load %arg5[%parallel_loop3A_262, %parallel_loop3A_263] {strides = array<i32>} : memref<50x256xf32, #tpu.memory_space<vmem>>, vector<1x16xf32>,
        %parallel_loop3A_265 = vector.shape_cast %parallel_loop3A_264 : vector<1x16xf32> to vector<16xf32>
        %parallel_loop3A_266 = arith.addf %parallel_loop3A_265, %get3A_124 : vector<16xf32>
        %parallel_loop3A_267 = arith.index_cast %rem3A_87 : i32 to index
        %parallel_loop3A_268 = arith.index_cast %parallel_loop3A_173 : i32 to index
        %parallel_loop3A_269 = arith.constant 128 : index
        %parallel_loop3A_270 = tpu.vector_load %arg7[%parallel_loop3A_267, %parallel_loop3A_268, %parallel_loop3A_269] {strides = array<i32>} : memref<2x50x256xf32, #tpu.memory_space<vmem>>, vector<1x1x16xf32>,
        %parallel_loop3A_271 = vector.shape_cast %parallel_loop3A_270 : vector<1x1x16xf32> to vector<16xf32>
        %parallel_loop3A_272 = vector.shape_cast %parallel_loop3A_266 : vector<16xf32> to vector<1x1x16xf32>
        tpu.vector_store %arg7[%parallel_loop3A_267, %parallel_loop3A_268, %parallel_loop3A_269], %parallel_loop3A_272 {strides = array<i32>} : memref<2x50x256xf32, #tpu.memory_space<vmem>>, vector<1x1x16xf32>,
        %parallel_loop3A_273 = arith.index_cast %parallel_loop3A_173 : i32 to index
        %parallel_loop3A_274 = arith.constant 144 : index
        %parallel_loop3A_275 = tpu.vector_load %arg5[%parallel_loop3A_273, %parallel_loop3A_274] {strides = array<i32>} : memref<50x256xf32, #tpu.memory_space<vmem>>, vector<1x16xf32>,
        %parallel_loop3A_276 = vector.shape_cast %parallel_loop3A_275 : vector<1x16xf32> to vector<16xf32>
        %parallel_loop3A_277 = arith.addf %parallel_loop3A_276, %get3A_128 : vector<16xf32>
        %parallel_loop3A_278 = arith.index_cast %rem3A_87 : i32 to index
        %parallel_loop3A_279 = arith.index_cast %parallel_loop3A_173 : i32 to index
        %parallel_loop3A_280 = arith.constant 144 : index
        %parallel_loop3A_281 = tpu.vector_load %arg7[%parallel_loop3A_278, %parallel_loop3A_279, %parallel_loop3A_280] {strides = array<i32>} : memref<2x50x256xf32, #tpu.memory_space<vmem>>, vector<1x1x16xf32>,
        %parallel_loop3A_282 = vector.shape_cast %parallel_loop3A_281 : vector<1x1x16xf32> to vector<16xf32>
        %parallel_loop3A_283 = vector.shape_cast %parallel_loop3A_277 : vector<16xf32> to vector<1x1x16xf32>
        tpu.vector_store %arg7[%parallel_loop3A_278, %parallel_loop3A_279, %parallel_loop3A_280], %parallel_loop3A_283 {strides = array<i32>} : memref<2x50x256xf32, #tpu.memory_space<vmem>>, vector<1x1x16xf32>,
        %parallel_loop3A_284 = arith.index_cast %parallel_loop3A_173 : i32 to index
        %parallel_loop3A_285 = arith.constant 160 : index
        %parallel_loop3A_286 = tpu.vector_load %arg5[%parallel_loop3A_284, %parallel_loop3A_285] {strides = array<i32>} : memref<50x256xf32, #tpu.memory_space<vmem>>, vector<1x16xf32>,
        %parallel_loop3A_287 = vector.shape_cast %parallel_loop3A_286 : vector<1x16xf32> to vector<16xf32>
        %parallel_loop3A_288 = arith.addf %parallel_loop3A_287, %get3A_132 : vector<16xf32>
        %parallel_loop3A_289 = arith.index_cast %rem3A_87 : i32 to index
        %parallel_loop3A_290 = arith.index_cast %parallel_loop3A_173 : i32 to index
        %parallel_loop3A_291 = arith.constant 160 : index
        %parallel_loop3A_292 = tpu.vector_load %arg7[%parallel_loop3A_289, %parallel_loop3A_290, %parallel_loop3A_291] {strides = array<i32>} : memref<2x50x256xf32, #tpu.memory_space<vmem>>, vector<1x1x16xf32>,
        %parallel_loop3A_293 = vector.shape_cast %parallel_loop3A_292 : vector<1x1x16xf32> to vector<16xf32>
        %parallel_loop3A_294 = vector.shape_cast %parallel_loop3A_288 : vector<16xf32> to vector<1x1x16xf32>
        tpu.vector_store %arg7[%parallel_loop3A_289, %parallel_loop3A_290, %parallel_loop3A_291], %parallel_loop3A_294 {strides = array<i32>} : memref<2x50x256xf32, #tpu.memory_space<vmem>>, vector<1x1x16xf32>,
        %parallel_loop3A_295 = arith.index_cast %parallel_loop3A_173 : i32 to index
        %parallel_loop3A_296 = arith.constant 176 : index
        %parallel_loop3A_297 = tpu.vector_load %arg5[%parallel_loop3A_295, %parallel_loop3A_296] {strides = array<i32>} : memref<50x256xf32, #tpu.memory_space<vmem>>, vector<1x16xf32>,
        %parallel_loop3A_298 = vector.shape_cast %parallel_loop3A_297 : vector<1x16xf32> to vector<16xf32>
        %parallel_loop3A_299 = arith.addf %parallel_loop3A_298, %get3A_136 : vector<16xf32>
        %parallel_loop3A_300 = arith.index_cast %rem3A_87 : i32 to index
        %parallel_loop3A_301 = arith.index_cast %parallel_loop3A_173 : i32 to index
        %parallel_loop3A_302 = arith.constant 176 : index
        %parallel_loop3A_303 = tpu.vector_load %arg7[%parallel_loop3A_300, %parallel_loop3A_301, %parallel_loop3A_302] {strides = array<i32>} : memref<2x50x256xf32, #tpu.memory_space<vmem>>, vector<1x1x16xf32>,
        %parallel_loop3A_304 = vector.shape_cast %parallel_loop3A_303 : vector<1x1x16xf32> to vector<16xf32>
        %parallel_loop3A_305 = vector.shape_cast %parallel_loop3A_299 : vector<16xf32> to vector<1x1x16xf32>
        tpu.vector_store %arg7[%parallel_loop3A_300, %parallel_loop3A_301, %parallel_loop3A_302], %parallel_loop3A_305 {strides = array<i32>} : memref<2x50x256xf32, #tpu.memory_space<vmem>>, vector<1x1x16xf32>,
        %parallel_loop3A_306 = arith.index_cast %parallel_loop3A_173 : i32 to index
        %parallel_loop3A_307 = arith.constant 192 : index
        %parallel_loop3A_308 = tpu.vector_load %arg5[%parallel_loop3A_306, %parallel_loop3A_307] {strides = array<i32>} : memref<50x256xf32, #tpu.memory_space<vmem>>, vector<1x16xf32>,
        %parallel_loop3A_309 = vector.shape_cast %parallel_loop3A_308 : vector<1x16xf32> to vector<16xf32>
        %parallel_loop3A_310 = arith.addf %parallel_loop3A_309, %get3A_140 : vector<16xf32>
        %parallel_loop3A_311 = arith.index_cast %rem3A_87 : i32 to index
        %parallel_loop3A_312 = arith.index_cast %parallel_loop3A_173 : i32 to index
        %parallel_loop3A_313 = arith.constant 192 : index
        %parallel_loop3A_314 = tpu.vector_load %arg7[%parallel_loop3A_311, %parallel_loop3A_312, %parallel_loop3A_313] {strides = array<i32>} : memref<2x50x256xf32, #tpu.memory_space<vmem>>, vector<1x1x16xf32>,
        %parallel_loop3A_315 = vector.shape_cast %parallel_loop3A_314 : vector<1x1x16xf32> to vector<16xf32>
        %parallel_loop3A_316 = vector.shape_cast %parallel_loop3A_310 : vector<16xf32> to vector<1x1x16xf32>
        tpu.vector_store %arg7[%parallel_loop3A_311, %parallel_loop3A_312, %parallel_loop3A_313], %parallel_loop3A_316 {strides = array<i32>} : memref<2x50x256xf32, #tpu.memory_space<vmem>>, vector<1x1x16xf32>,
        %parallel_loop3A_317 = arith.index_cast %parallel_loop3A_173 : i32 to index
        %parallel_loop3A_318 = arith.constant 208 : index
        %parallel_loop3A_319 = tpu.vector_load %arg5[%parallel_loop3A_317, %parallel_loop3A_318] {strides = array<i32>} : memref<50x256xf32, #tpu.memory_space<vmem>>, vector<1x16xf32>,
        %parallel_loop3A_320 = vector.shape_cast %parallel_loop3A_319 : vector<1x16xf32> to vector<16xf32>
        %parallel_loop3A_321 = arith.addf %parallel_loop3A_320, %get3A_144 : vector<16xf32>
        %parallel_loop3A_322 = arith.index_cast %rem3A_87 : i32 to index
        %parallel_loop3A_323 = arith.index_cast %parallel_loop3A_173 : i32 to index
        %parallel_loop3A_324 = arith.constant 208 : index
        %parallel_loop3A_325 = tpu.vector_load %arg7[%parallel_loop3A_322, %parallel_loop3A_323, %parallel_loop3A_324] {strides = array<i32>} : memref<2x50x256xf32, #tpu.memory_space<vmem>>, vector<1x1x16xf32>,
        %parallel_loop3A_326 = vector.shape_cast %parallel_loop3A_325 : vector<1x1x16xf32> to vector<16xf32>
        %parallel_loop3A_327 = vector.shape_cast %parallel_loop3A_321 : vector<16xf32> to vector<1x1x16xf32>
        tpu.vector_store %arg7[%parallel_loop3A_322, %parallel_loop3A_323, %parallel_loop3A_324], %parallel_loop3A_327 {strides = array<i32>} : memref<2x50x256xf32, #tpu.memory_space<vmem>>, vector<1x1x16xf32>,
        %parallel_loop3A_328 = arith.index_cast %parallel_loop3A_173 : i32 to index
        %parallel_loop3A_329 = arith.constant 224 : index
        %parallel_loop3A_330 = tpu.vector_load %arg5[%parallel_loop3A_328, %parallel_loop3A_329] {strides = array<i32>} : memref<50x256xf32, #tpu.memory_space<vmem>>, vector<1x16xf32>,
        %parallel_loop3A_331 = vector.shape_cast %parallel_loop3A_330 : vector<1x16xf32> to vector<16xf32>
        %parallel_loop3A_332 = arith.addf %parallel_loop3A_331, %get3A_148 : vector<16xf32>
        %parallel_loop3A_333 = arith.index_cast %rem3A_87 : i32 to index
        %parallel_loop3A_334 = arith.index_cast %parallel_loop3A_173 : i32 to index
        %parallel_loop3A_335 = arith.constant 224 : index
        %parallel_loop3A_336 = tpu.vector_load %arg7[%parallel_loop3A_333, %parallel_loop3A_334, %parallel_loop3A_335] {strides = array<i32>} : memref<2x50x256xf32, #tpu.memory_space<vmem>>, vector<1x1x16xf32>,
        %parallel_loop3A_337 = vector.shape_cast %parallel_loop3A_336 : vector<1x1x16xf32> to vector<16xf32>
        %parallel_loop3A_338 = vector.shape_cast %parallel_loop3A_332 : vector<16xf32> to vector<1x1x16xf32>
        tpu.vector_store %arg7[%parallel_loop3A_333, %parallel_loop3A_334, %parallel_loop3A_335], %parallel_loop3A_338 {strides = array<i32>} : memref<2x50x256xf32, #tpu.memory_space<vmem>>, vector<1x1x16xf32>,
        %parallel_loop3A_339 = arith.index_cast %parallel_loop3A_173 : i32 to index
        %parallel_loop3A_340 = arith.constant 240 : index
        %parallel_loop3A_341 = tpu.vector_load %arg5[%parallel_loop3A_339, %parallel_loop3A_340] {strides = array<i32>} : memref<50x256xf32, #tpu.memory_space<vmem>>, vector<1x16xf32>,
        %parallel_loop3A_342 = vector.shape_cast %parallel_loop3A_341 : vector<1x16xf32> to vector<16xf32>
        %parallel_loop3A_343 = arith.addf %parallel_loop3A_342, %get3A_152 : vector<16xf32>
        %parallel_loop3A_344 = arith.index_cast %rem3A_87 : i32 to index
        %parallel_loop3A_345 = arith.index_cast %parallel_loop3A_173 : i32 to index
        %parallel_loop3A_346 = arith.constant 240 : index
        %parallel_loop3A_347 = tpu.vector_load %arg7[%parallel_loop3A_344, %parallel_loop3A_345, %parallel_loop3A_346] {strides = array<i32>} : memref<2x50x256xf32, #tpu.memory_space<vmem>>, vector<1x1x16xf32>,
        %parallel_loop3A_348 = vector.shape_cast %parallel_loop3A_347 : vector<1x1x16xf32> to vector<16xf32>
        %parallel_loop3A_349 = vector.shape_cast %parallel_loop3A_343 : vector<16xf32> to vector<1x1x16xf32>
        tpu.vector_store %arg7[%parallel_loop3A_344, %parallel_loop3A_345, %parallel_loop3A_346], %parallel_loop3A_349 {strides = array<i32>} : memref<2x50x256xf32, #tpu.memory_space<vmem>>, vector<1x1x16xf32>,
      } {sc.loop_unroll_factor = 8 : i64, sc.parallel_access}
      %add3A_155 = arith.addi %mul3A_32, %scan3A_85 : i32
      %dma_start3A = arith.constant 0 : i32
      %dma_start3A_156 = arith.constant 0 : i32
      %dma_start3A_157 = tpu.memref_slice %arg7[%rem3A_87, %dma_start3A, %dma_start3A_156] : memref<2x50x256xf32, #tpu.memory_space<vmem>> -> memref<1x50x256xf32, #tpu.memory_space<vmem>>
      %dma_start3A_158 = tpu.memref_squeeze %dma_start3A_157 : memref<1x50x256xf32, #tpu.memory_space<vmem>> -> memref<50x256xf32, #tpu.memory_space<vmem>>
      %dma_start3A_159 = arith.constant 0 : i32
      %dma_start3A_160 = arith.constant 0 : i32
      %dma_start3A_161 = tpu.memref_slice %arg4[%select_n3A, %add3A_155, %dma_start3A_159, %dma_start3A_160] : memref<4x512x50x256xf32, #tpu.memory_space<hbm>> -> memref<1x1x50x256xf32, #tpu.memory_space<hbm>>
      %dma_start3A_162 = tpu.memref_squeeze %dma_start3A_161 : memref<1x1x50x256xf32, #tpu.memory_space<hbm>> -> memref<50x256xf32, #tpu.memory_space<hbm>>
      %dma_start3A_163 = tpu.memref_slice %arg8[%rem3A_87] : memref<2x!tpu.dma_semaphore, #tpu.memory_space<semaphore_mem>> -> memref<1x!tpu.dma_semaphore, #tpu.memory_space<semaphore_mem>>
      %dma_start3A_164 = tpu.memref_squeeze %dma_start3A_163 : memref<1x!tpu.dma_semaphore, #tpu.memory_space<semaphore_mem>> -> memref<!tpu.dma_semaphore, #tpu.memory_space<semaphore_mem>>
      %dma_start3A_165 = arith.constant 0 : i32
      %dma_start3A_166 = arith.constant 0 : i32
      %dma_start3A_167 = tpu.memref_slice %arg4[%select_n3A, %add3A_155, %dma_start3A_165, %dma_start3A_166] : memref<4x512x50x256xf32, #tpu.memory_space<hbm>> -> memref<1x1x50x256xf32, #tpu.memory_space<hbm>>
      %dma_start3A_168 = tpu.memref_squeeze %dma_start3A_167 : memref<1x1x50x256xf32, #tpu.memory_space<hbm>> -> memref<50x256xf32, #tpu.memory_space<hbm>>
      %dma_start3A_169 = arith.constant 0 : i32
      %dma_start3A_170 = arith.constant 0 : i32
      %dma_start3A_171 = tpu.memref_slice %arg7[%rem3A_87, %dma_start3A_169, %dma_start3A_170] : memref<2x50x256xf32, #tpu.memory_space<vmem>> -> memref<1x50x256xf32, #tpu.memory_space<vmem>>
      %dma_start3A_172 = tpu.memref_squeeze %dma_start3A_171 : memref<1x50x256xf32, #tpu.memory_space<vmem>> -> memref<50x256xf32, #tpu.memory_space<vmem>>
      tpu.enqueue_dma source(%dma_start3A_172 : memref<50x256xf32, #tpu.memory_space<vmem>>) target(%dma_start3A_168 : memref<50x256xf32, #tpu.memory_space<hbm>>) target_semaphore(%dma_start3A_164 : memref<!tpu.dma_semaphore, #tpu.memory_space<semaphore_mem>>)
    }
    %scan3A_37 = arith.constant 64 : i32
    %add3A_38 = arith.constant 64 : i32
    %add3A_39 = arith.addi %mul3A_32, %add3A_38 : i32
    %sub3A_40 = arith.constant 2 : i32
    %sub3A_41 = arith.subi %add3A_39, %sub3A_40 : i32
    %dma_wait3A = arith.constant 0 : i32
    %dma_wait3A_42 = arith.constant 0 : i32
    %dma_wait3A_43 = arith.constant 0 : i32
    %dma_wait3A_44 = arith.constant 0 : i32
    %dma_wait3A_45 = tpu.memref_slice %arg7[%dma_wait3A, %dma_wait3A_43, %dma_wait3A_44] : memref<2x50x256xf32, #tpu.memory_space<vmem>> -> memref<1x50x256xf32, #tpu.memory_space<vmem>>
    %dma_wait3A_46 = tpu.memref_squeeze %dma_wait3A_45 : memref<1x50x256xf32, #tpu.memory_space<vmem>> -> memref<50x256xf32, #tpu.memory_space<vmem>>
    %dma_wait3A_47 = arith.constant 0 : i32
    %dma_wait3A_48 = arith.constant 0 : i32
    %dma_wait3A_49 = tpu.memref_slice %arg4[%select_n3A, %sub3A_41, %dma_wait3A_47, %dma_wait3A_48] : memref<4x512x50x256xf32, #tpu.memory_space<hbm>> -> memref<1x1x50x256xf32, #tpu.memory_space<hbm>>
    %dma_wait3A_50 = tpu.memref_squeeze %dma_wait3A_49 : memref<1x1x50x256xf32, #tpu.memory_space<hbm>> -> memref<50x256xf32, #tpu.memory_space<hbm>>
    %dma_wait3A_51 = tpu.memref_slice %arg8[%dma_wait3A_42] : memref<2x!tpu.dma_semaphore, #tpu.memory_space<semaphore_mem>> -> memref<1x!tpu.dma_semaphore, #tpu.memory_space<semaphore_mem>>
    %dma_wait3A_52 = tpu.memref_squeeze %dma_wait3A_51 : memref<1x!tpu.dma_semaphore, #tpu.memory_space<semaphore_mem>> -> memref<!tpu.dma_semaphore, #tpu.memory_space<semaphore_mem>>
    %dma_wait3A_53 = arith.constant 0 : i32
    %dma_wait3A_54 = arith.constant 0 : i32
    %dma_wait3A_55 = tpu.memref_slice %arg4[%select_n3A, %sub3A_41, %dma_wait3A_53, %dma_wait3A_54] : memref<4x512x50x256xf32, #tpu.memory_space<hbm>> -> memref<1x1x50x256xf32, #tpu.memory_space<hbm>>
    %dma_wait3A_56 = tpu.memref_squeeze %dma_wait3A_55 : memref<1x1x50x256xf32, #tpu.memory_space<hbm>> -> memref<50x256xf32, #tpu.memory_space<hbm>>
    %dma_wait3A_57 = arith.constant 0 : i32
    %dma_wait3A_58 = arith.constant 0 : i32
    %dma_wait3A_59 = tpu.memref_slice %arg7[%dma_wait3A, %dma_wait3A_57, %dma_wait3A_58] : memref<2x50x256xf32, #tpu.memory_space<vmem>> -> memref<1x50x256xf32, #tpu.memory_space<vmem>>
    %dma_wait3A_60 = tpu.memref_squeeze %dma_wait3A_59 : memref<1x50x256xf32, #tpu.memory_space<vmem>> -> memref<50x256xf32, #tpu.memory_space<vmem>>
    tpu.wait_dma2 semaphore(%dma_wait3A_52 : memref<!tpu.dma_semaphore, #tpu.memory_space<semaphore_mem>>) src(%dma_wait3A_60 : memref<50x256xf32, #tpu.memory_space<vmem>>) dst(%dma_wait3A_56 : memref<50x256xf32, #tpu.memory_space<hbm>>)
    %add3A_61 = arith.constant 64 : i32
    %add3A_62 = arith.addi %mul3A_32, %add3A_61 : i32
    %sub3A_63 = arith.constant 1 : i32
    %sub3A_64 = arith.subi %add3A_62, %sub3A_63 : i32
    %dma_wait3A_65 = arith.constant 1 : i32
    %dma_wait3A_66 = arith.constant 1 : i32
    %dma_wait3A_67 = arith.constant 0 : i32
    %dma_wait3A_68 = arith.constant 0 : i32
    %dma_wait3A_69 = tpu.memref_slice %arg7[%dma_wait3A_65, %dma_wait3A_67, %dma_wait3A_68] : memref<2x50x256xf32, #tpu.memory_space<vmem>> -> memref<1x50x256xf32, #tpu.memory_space<vmem>>
    %dma_wait3A_70 = tpu.memref_squeeze %dma_wait3A_69 : memref<1x50x256xf32, #tpu.memory_space<vmem>> -> memref<50x256xf32, #tpu.memory_space<vmem>>
    %dma_wait3A_71 = arith.constant 0 : i32
    %dma_wait3A_72 = arith.constant 0 : i32
    %dma_wait3A_73 = tpu.memref_slice %arg4[%select_n3A, %sub3A_64, %dma_wait3A_71, %dma_wait3A_72] : memref<4x512x50x256xf32, #tpu.memory_space<hbm>> -> memref<1x1x50x256xf32, #tpu.memory_space<hbm>>
    %dma_wait3A_74 = tpu.memref_squeeze %dma_wait3A_73 : memref<1x1x50x256xf32, #tpu.memory_space<hbm>> -> memref<50x256xf32, #tpu.memory_space<hbm>>
    %dma_wait3A_75 = tpu.memref_slice %arg8[%dma_wait3A_66] : memref<2x!tpu.dma_semaphore, #tpu.memory_space<semaphore_mem>> -> memref<1x!tpu.dma_semaphore, #tpu.memory_space<semaphore_mem>>
    %dma_wait3A_76 = tpu.memref_squeeze %dma_wait3A_75 : memref<1x!tpu.dma_semaphore, #tpu.memory_space<semaphore_mem>> -> memref<!tpu.dma_semaphore, #tpu.memory_space<semaphore_mem>>
    %dma_wait3A_77 = arith.constant 0 : i32
    %dma_wait3A_78 = arith.constant 0 : i32
    %dma_wait3A_79 = tpu.memref_slice %arg4[%select_n3A, %sub3A_64, %dma_wait3A_77, %dma_wait3A_78] : memref<4x512x50x256xf32, #tpu.memory_space<hbm>> -> memref<1x1x50x256xf32, #tpu.memory_space<hbm>>
    %dma_wait3A_80 = tpu.memref_squeeze %dma_wait3A_79 : memref<1x1x50x256xf32, #tpu.memory_space<hbm>> -> memref<50x256xf32, #tpu.memory_space<hbm>>
    %dma_wait3A_81 = arith.constant 0 : i32
    %dma_wait3A_82 = arith.constant 0 : i32
    %dma_wait3A_83 = tpu.memref_slice %arg7[%dma_wait3A_65, %dma_wait3A_81, %dma_wait3A_82] : memref<2x50x256xf32, #tpu.memory_space<vmem>> -> memref<1x50x256xf32, #tpu.memory_space<vmem>>
    %dma_wait3A_84 = tpu.memref_squeeze %dma_wait3A_83 : memref<1x50x256xf32, #tpu.memory_space<vmem>> -> memref<50x256xf32, #tpu.memory_space<vmem>>
    tpu.wait_dma2 semaphore(%dma_wait3A_76 : memref<!tpu.dma_semaphore, #tpu.memory_space<semaphore_mem>>) src(%dma_wait3A_84 : memref<50x256xf32, #tpu.memory_space<vmem>>) dst(%dma_wait3A_80 : memref<50x256xf32, #tpu.memory_space<hbm>>)
    return
  }
}

module attributes {stable_mosaic.version = 14 : i64} {
  func.func @_prep_kernel(%arg0: i32, %arg1: memref<1x512x256xf32, #tpu.memory_space<vmem>>, %arg2: memref<1x50x256xf32, #tpu.memory_space<vmem>>, %arg3: memref<1x512x256xf32, #tpu.memory_space<vmem>>, %arg4: memref<1x50x256xf32, #tpu.memory_space<vmem>>) attributes {dimension_semantics = [#tpu.dimension_semantics<arbitrary>], iteration_bounds = array<i64: 4>, scalar_prefetch = 0 : i64, scratch_operands = 0 : i64, tpu.core_type = #tpu.core_type<tc>, window_params = [{transform_indices = @transform_0, window_bounds = array<i64: 1, 512, 256>}, {transform_indices = @transform_1, window_bounds = array<i64: 1, 50, 256>}, {transform_indices = @transform_2, window_bounds = array<i64: 1, 512, 256>}, {transform_indices = @transform_3, window_bounds = array<i64: 1, 50, 256>}]} {
    %get3A = arith.constant 0 : index
    %get3A_0 = arith.constant 0 : index
    %get3A_1 = arith.constant 0 : index
    %get3A_2 = vector.load %arg1[%get3A, %get3A_0, %get3A_1] : memref<1x512x256xf32, #tpu.memory_space<vmem>>, vector<1x512x256xf32>
    %get3A_3 = vector.shape_cast %get3A_2 : vector<1x512x256xf32> to vector<512x256xf32>
    %reduce_max3A = arith.constant dense<0xFF800000> : vector<512xf32>
    %reduce_max3A_4 = vector.multi_reduction <maximumf>, %get3A_3, %reduce_max3A [1] : vector<512x256xf32> to vector<512xf32>
    %broadcast_in_dim3A = vector.shape_cast %reduce_max3A_4 : vector<512xf32> to vector<512x1xf32>
    %sub3A = vector.broadcast %broadcast_in_dim3A : vector<512x1xf32> to vector<512x256xf32>
    %sub3A_5 = arith.subf %get3A_3, %sub3A : vector<512x256xf32>
    %exp3A = math.exp %sub3A_5 : vector<512x256xf32>
    %reduce_sum3A = arith.constant dense<0.000000e+00> : vector<512xf32>
    %reduce_sum3A_6 = vector.multi_reduction <add>, %exp3A, %reduce_sum3A [1] : vector<512x256xf32> to vector<512xf32>
    %broadcast_in_dim3A_7 = vector.shape_cast %reduce_sum3A_6 : vector<512xf32> to vector<512x1xf32>
    %log3A = math.log %broadcast_in_dim3A_7 : vector<512x1xf32>
    %sub3A_8 = vector.broadcast %log3A : vector<512x1xf32> to vector<512x256xf32>
    %sub3A_9 = arith.subf %sub3A_5, %sub3A_8 : vector<512x256xf32>
    %swap3A = arith.constant 0 : index
    %swap3A_10 = arith.constant 0 : index
    %swap3A_11 = arith.constant 0 : index
    %swap3A_12 = vector.load %arg3[%swap3A, %swap3A_10, %swap3A_11] : memref<1x512x256xf32, #tpu.memory_space<vmem>>, vector<1x512x256xf32>
    %swap3A_13 = vector.shape_cast %swap3A_12 : vector<1x512x256xf32> to vector<512x256xf32>
    %swap3A_14 = vector.shape_cast %sub3A_9 : vector<512x256xf32> to vector<1x512x256xf32>
    tpu.vector_store %arg3[%swap3A, %swap3A_10, %swap3A_11], %swap3A_14 {strides = array<i32>} : memref<1x512x256xf32, #tpu.memory_space<vmem>>, vector<1x512x256xf32>,
    %get3A_15 = arith.constant 0 : index
    %get3A_16 = arith.constant 0 : index
    %get3A_17 = arith.constant 0 : index
    %get3A_18 = vector.load %arg2[%get3A_15, %get3A_16, %get3A_17] : memref<1x50x256xf32, #tpu.memory_space<vmem>>, vector<1x50x256xf32>
    %get3A_19 = vector.shape_cast %get3A_18 : vector<1x50x256xf32> to vector<50x256xf32>
    %reduce_max3A_20 = arith.constant dense<0xFF800000> : vector<50xf32>
    %reduce_max3A_21 = vector.multi_reduction <maximumf>, %get3A_19, %reduce_max3A_20 [1] : vector<50x256xf32> to vector<50xf32>
    %broadcast_in_dim3A_22 = vector.shape_cast %reduce_max3A_21 : vector<50xf32> to vector<50x1xf32>
    %sub3A_23 = vector.broadcast %broadcast_in_dim3A_22 : vector<50x1xf32> to vector<50x256xf32>
    %sub3A_24 = arith.subf %get3A_19, %sub3A_23 : vector<50x256xf32>
    %exp3A_25 = math.exp %sub3A_24 : vector<50x256xf32>
    %reduce_sum3A_26 = arith.constant dense<0.000000e+00> : vector<50xf32>
    %reduce_sum3A_27 = vector.multi_reduction <add>, %exp3A_25, %reduce_sum3A_26 [1] : vector<50x256xf32> to vector<50xf32>
    %broadcast_in_dim3A_28 = vector.shape_cast %reduce_sum3A_27 : vector<50xf32> to vector<50x1xf32>
    %log3A_29 = math.log %broadcast_in_dim3A_28 : vector<50x1xf32>
    %sub3A_30 = vector.broadcast %log3A_29 : vector<50x1xf32> to vector<50x256xf32>
    %sub3A_31 = arith.subf %sub3A_24, %sub3A_30 : vector<50x256xf32>
    %iota3A = tpu.iota {dimensions = array<i32: 1>} : vector<50x256xi32>
    %eq3A = arith.constant 0 : i32
    %eq3A_32 = vector.broadcast %eq3A : i32 to vector<50x256xi32>
    %eq3A_33 = arith.cmpi eq, %iota3A, %eq3A_32 : vector<50x256xi32>
    %jit3A = arith.constant 0.000000e+00 : f32
    %broadcast_in_dim3A_34 = vector.broadcast %jit3A : f32 to vector<50x256xf32>
    %select_n3A = arith.select %eq3A_33, %broadcast_in_dim3A_34, %sub3A_31 : vector<50x256xi1>, vector<50x256xf32>
    %swap3A_35 = arith.constant 0 : index
    %swap3A_36 = arith.constant 0 : index
    %swap3A_37 = arith.constant 0 : index
    %swap3A_38 = vector.load %arg4[%swap3A_35, %swap3A_36, %swap3A_37] : memref<1x50x256xf32, #tpu.memory_space<vmem>>, vector<1x50x256xf32>
    %swap3A_39 = vector.shape_cast %swap3A_38 : vector<1x50x256xf32> to vector<50x256xf32>
    %swap3A_40 = vector.shape_cast %select_n3A : vector<50x256xf32> to vector<1x50x256xf32>
    tpu.vector_store %arg4[%swap3A_35, %swap3A_36, %swap3A_37], %swap3A_40 {strides = array<i32>} : memref<1x50x256xf32, #tpu.memory_space<vmem>>, vector<1x50x256xf32>,
    return
  }
  func.func @transform_0(%arg0: i32) -> (i32, i32, i32) {
    %c0_i32 = arith.constant 0 : i32
    %c0_i32_0 = arith.constant 0 : i32
    %c0_i32_1 = arith.constant 0 : i32
    return %arg0, %c0_i32, %c0_i32_0 : i32, i32, i32
  }
  func.func @transform_1(%arg0: i32) -> (i32, i32, i32) {
    %c0_i32 = arith.constant 0 : i32
    %c0_i32_0 = arith.constant 0 : i32
    %c0_i32_1 = arith.constant 0 : i32
    return %arg0, %c0_i32, %c0_i32_0 : i32, i32, i32
  }
  func.func @transform_2(%arg0: i32) -> (i32, i32, i32) {
    %c0_i32 = arith.constant 0 : i32
    %c0_i32_0 = arith.constant 0 : i32
    %c0_i32_1 = arith.constant 0 : i32
    return %arg0, %c0_i32, %c0_i32_0 : i32, i32, i32
  }
  func.func @transform_3(%arg0: i32) -> (i32, i32, i32) {
    %c0_i32 = arith.constant 0 : i32
    %c0_i32_0 = arith.constant 0 : i32
    %c0_i32_1 = arith.constant 0 : i32
    return %arg0, %c0_i32, %c0_i32_0 : i32, i32, i32
  }
}

</mosaic_0001>

<sc_bundles>
// kernel: kernel.4.cloned.1.call-start
scs
__scs_entry_jumppad:
0x0: {  	(pc) =	sbr.rel $0x88, $3  }
0x1: {  	(tag) =	ssettag $0x0;
	lr =	simm.s32 $0x1  }
0x2: {  	[smem:$0x3F9F] =	sst lr;
	_ =	strace $0xD0000000  }
0x3: {  	_ = 	snop  }
0x4: {  	_ = 	snop  }
0x5: {  	_ = 	snop  }
0x6: {  	_ = 	snop  }
0x7: {  	_ = 	snop  }
__scs_overlays_trampoline_lowered:
0x8: {  	[smem:$0x3FAE] =	sst s0  }
0x9: {  	[smem:$0x3FAF] =	sst s1  }
0xa: {  	[smem:$0x3FB0] =	sst s2  }
0xb: {  	[smem:$0x3FB1] =	sst s3  }
0xc: {  	[smem:$0x3FB2] =	sst s4  }
0xd: {  	[smem:$0x3FB3] =	sst s5  }
0xe: {  	[smem:$0x3FB4] =	sst s6  }
0xf: {  	[smem:$0x3FB5] =	sst s7  }
0x10: {  	[smem:$0x3FB6] =	sst s8  }
0x11: {  	[smem:$0x3FB7] =	sst s9;
	s0 =	simm.s32 @!p0 $0x0  }
0x12: {  	s1 =	sld [smem:$0x3F9D];
	s0 =	simm.s32 @p0 $0x1  }
0x13: {  	[smem:$0x3FB8] =	sst s0;
	s0 =	simm.s32 @!p1 $0x0  }
0x14: {  	s2 =	sld [smem:$0x3F9C];
	s0 =	simm.s32 @p1 $0x1  }
0x15: {  	[smem:$0x3FB9] =	sst s0;
	s0 =	simm.s32 @!p2 $0x0  }
0x16: {  	s3 =	sld [smem:$0x3FDB];
	s0 =	simm.s32 @p2 $0x1  }
0x17: {  	s4 =	simm.s32 $0x1BF5;
	[smem:$0x3FBB] =	sst s0  }
0x18: {  	s0 =	sld [smem:$0x3F9E];
	_ =	swait.ge [sflag:s4], $0x0  }
0x19: {  	s7 =	sld [smem:$0x3F9F]  }
0x1a: {  	s8 =	sadd.s32 $0xFFFFE003, lr  }
0x1b: {  	s9 =	sadd.s32 $0xFFFFFEF7, lr;
	s5 =	simm.s32 $0xFFFFFFFF;
	p2 =	slt.u32 s8, $0xFFFFF086  }
0x1c: {  	p1 =	slt.u32 s9, $0xF7A;
	s5 =	simm.s32 @!p2 $0x0  }
0x1d: {  	s5 =	simm.s32 @p1 $0x1;
	p0 =	seq.s32 s7, s2  }
0x1e: {  	s7 =	smul.u32 @!p0 $0xF7A, s2;
	p2 =	seq.s32 @!p0 s5, $0x0  }
0x1f: {  	s9 =	smul.u32 $0xF7A, s1;
	s8 =	simm.s32 @!p0 $0x1BF5;
	p2 =	por !p2, p0  }
0x20: {  	[sflag:s8] =	ssyncset.s32 @!p0 $0xFFFFF086;
	s6 =	sadd.s32 @!p0 s3, s7;
	s7 =	simm.s32 @!p0 $0x108  }
0x21: {  	s3 =	sadd.s32 s3, s9;
	s6 =	sadd.s32 @!p0 $0x88, s6;
	s7 =	simm.s32 @p2 $0x1082  }
0x22: {  	[simem:s7], [sflag:s8] =	dma.local @!p0 [hbm:s6], $0xF7A  }
0x23: {  	s9 =	sor.u32 $0xD0000000, s2;
	s6 =	simm.s32 $0x108;
	_ =	swait.ge @!p0 [sflag:s8], $0x0  }
0x24: {  	s3 =	sadd.s32 $0x88, s3;
	s6 =	simm.s32 @!p1 $0x1082;
	[sflag:s4] =	ssyncset.s32 $0xFFFFF086  }
0x25: {  	[simem:s6], [sflag:s4] =	dma.local [hbm:s3], $0xF7A  }
0x26: {  	[smem:$0x3F9F] =	sst s1;
	(tag) =	ssettag s2;
	_ =	strace s9  }
0x27: {  	s1 =	sld [smem:$0x3FAF]  }
0x28: {  	s2 =	sld [smem:$0x3FB0]  }
0x29: {  	s4 =	sld [smem:$0x3FB2]  }
0x2a: {  	p0 =	seq.s32 s5, $0x0;
	s5 =	sld [smem:$0x3FB3]  }
0x2b: {  	s6 =	sld [smem:$0x3FB4]  }
0x2c: {  	s7 =	sld [smem:$0x3FB5]  }
0x2d: {  	s3 =	simm.s32 $0x108;
	s8 =	sld [smem:$0x3FB6]  }
0x2e: {  	s3 =	simm.s32 @!p0 $0x1082;
	s9 =	sld [smem:$0x3FB7]  }
0x2f: {  	lr =	sadd.s32 s0, s3;
	s0 =	sld [smem:$0x3FAE]  }
0x30: {  	s3 =	sld [smem:$0x3FB1]  }
0x31: {  	[smem:$0x3FBA] =	sst s10  }
0x32: {  	s10 =	sld [smem:$0x3FB8];
	_ =	sdelay $0x3  }
0x33: {  	p0 =	seq.s32 s10, $0x1;
	s10 =	sld [smem:$0x3FBA];
	_ =	sdelay $0x3  }
0x34: {  	[smem:$0x3FBA] =	sst s10  }
0x35: {  	s10 =	sld [smem:$0x3FB9];
	_ =	sdelay $0x3  }
0x36: {  	p1 =	seq.s32 s10, $0x1;
	s10 =	sld [smem:$0x3FBA];
	_ =	sdelay $0x3  }
0x37: {  	[smem:$0x3FBA] =	sst s10  }
0x38: {  	s10 =	sld [smem:$0x3FBB]  }
0x39: {  	_ = 	snop;
	(pc) =	sbr.ind lr, $3  }
0x3a: {  	_ = 	snop  }
0x3b: {  	_ = 	snop  }
0x3c: {  	p2 =	seq.s32 s10, $0x1;
	s10 =	sld [smem:$0x3FBA]  }
0x3d: {  	_ =	shalt  }
0x3e: {  	_ =	shalt  }
0x3f: {  	_ =	shalt  }
0x40: {  	_ =	shalt  }
0x41: {  	_ =	shalt  }
0x42: {  	_ =	shalt  }
0x43: {  	_ =	shalt  }
0x44: {  	_ =	shalt  }
0x45: {  	_ =	shalt  }
0x46: {  	_ =	shalt  }
0x47: {  	_ =	shalt  }
0x48: {  	_ =	shalt  }
0x49: {  	_ =	shalt  }
0x4a: {  	_ =	shalt  }
0x4b: {  	_ =	shalt  }
0x4c: {  	_ =	shalt  }
0x4d: {  	_ =	shalt  }
0x4e: {  	_ =	shalt  }
0x4f: {  	_ =	shalt  }
0x50: {  	_ =	shalt  }
0x51: {  	_ =	shalt  }
0x52: {  	_ =	shalt  }
0x53: {  	_ =	shalt  }
0x54: {  	_ =	shalt  }
0x55: {  	_ =	shalt  }
0x56: {  	_ =	shalt  }
0x57: {  	_ =	shalt  }
0x58: {  	_ =	shalt  }
0x59: {  	_ =	shalt  }
0x5a: {  	_ =	shalt  }
0x5b: {  	_ =	shalt  }
0x5c: {  	_ =	shalt  }
0x5d: {  	_ =	shalt  }
0x5e: {  	_ =	shalt  }
0x5f: {  	_ =	shalt  }
0x60: {  	_ =	shalt  }
0x61: {  	_ =	shalt  }
0x62: {  	_ =	shalt  }
0x63: {  	_ =	shalt  }
0x64: {  	_ =	shalt  }
0x65: {  	_ =	shalt  }
0x66: {  	_ =	shalt  }
0x67: {  	_ =	shalt  }
0x68: {  	_ =	shalt  }
0x69: {  	_ =	shalt  }
0x6a: {  	_ =	shalt  }
0x6b: {  	_ =	shalt  }
0x6c: {  	_ =	shalt  }
0x6d: {  	_ =	shalt  }
0x6e: {  	_ =	shalt  }
0x6f: {  	_ =	shalt  }
0x70: {  	_ =	shalt  }
0x71: {  	_ =	shalt  }
0x72: {  	_ =	shalt  }
0x73: {  	_ =	shalt  }
0x74: {  	_ =	shalt  }
0x75: {  	_ =	shalt  }
0x76: {  	_ =	shalt  }
0x77: {  	_ =	shalt  }
0x78: {  	_ =	shalt  }
0x79: {  	_ =	shalt  }
0x7a: {  	_ =	shalt  }
0x7b: {  	_ =	shalt  }
0x7c: {  	_ =	shalt  }
0x7d: {  	_ =	shalt  }
0x7e: {  	_ =	shalt  }
0x7f: {  	_ =	shalt  }
0x80: {  	_ =	shalt  }
0x81: {  	_ =	shalt  }
0x82: {  	_ =	shalt  }
0x83: {  	_ =	shalt  }
0x84: {  	_ =	shalt  }
0x85: {  	_ =	shalt  }
0x86: {  	_ =	shalt  }
0x87: {  	_ =	shalt  }
.Lfunc_end0:
.L_simem_size_0:
called_computation_lowered:
.L_overlay_start_0:
0x88: {  	s2 =	sld [smem:$0x3FD9]  }
0x89: {  	s3 =	sld [smem:$0x3FFE];
	_ =	sdelay $0x1  }
0x8a: {  	s1 =	srdreg.scid  }
0x8b: {  	s0 =	sand.u32 $0x1, s1  }
0x8c: {  	s17 =	sshll.u32 s0, $0xA;
	s2 =	sadd.s32 s3, s2  }
0x8d: {  	s2 =	sadd.s32 s2, s17  }
0x8e: {  	[smem:$0x3FC6] =	sst s2  }
0x8f: {  	_ = 	snop  }
0x90: {  	s2 =	sld [smem:$0x3FD0];
	(tm) =	ssettm $0x1  }
0x91: {  	s18 =	sld [smem:$0x3FFB];
	_ =	sdelay $0x3  }
0x92: {  	_ =	strace s18  }
0x93: {  	s3 =	sld [smem:$0x3FFC];
	_ =	sdelay $0x3  }
0x94: {  	_ =	strace s3  }
0x95: {  	s3 =	sld [smem:$0x3FFD];
	_ =	sdelay $0x3  }
0x96: {  	_ =	strace s3  }
0x97: {  	_ =	strace $0x8FFFFFFF  }
0x98: {  	s19 =	sld [smem:$0x3FDB];
	_ =	sdelay $0x1  }
0x99: {  	s4 =	simm.s32 $_scs_section_size  }
0x9a: {  	s5 =	simm.s32 $_size__tile_overlayer_lowered;
	s6 =	simm.s32 $_tile_overlayer_lowered  }
0x9b: {  	s22 =	simm.s32 $0x1BFF;
	s21 =	sshll.u32 s6, $0x1;
	s3 =	sadd.s32 s4, s19  }
0x9c: {  	s7 =	simm.s32 $0x0;
	s20 =	sshll.u32 s5, $0x1;
	s5 =	sadd.s32 s21, s3  }
0x9d: {  	[timem:s7], [sflag:s22] =	dma.local [hbm:s5], s20  }
0x9e: {  	_ =	swait.ge [sflag:s22], s20  }
0x9f: {  	s4 =	ssub.s32 $0x0, s20;
	[sflag:s22] =	ssyncset.done $0x0  }
0xa0: {  	[sflag:s22] =	ssyncadd.s32 s4;
	_ =	sdelay $0x1  }
0xa1: {  	s23 =	simm.s32 $0x1B8B  }
0xa2: {  	_ =	swait.ge [sflag:s23], $0x1  }
0xa3: {  	[sflag:s23] =	ssyncset.done $0x0  }
0xa4: {  	s25 =	simm.s32 $0x1B8E;
	s24 =	sld [smem:$0x3FFE];
	[sflag:s23] =	ssyncadd.s32 $0xFFFFFFFF  }
0xa5: {  	s26 =	simm.s32 $execute0_lowered;
	[smem:$0x3FD2] =	sst s25  }
0xa6: {  	s5 =	sshll.u32 s26, $0x1;
	_ =	strace $0x80000046;
	[dreg:$0x1] =	wrdreg $0xFFFFFFFF  }
0xa7: {  	s28 =	simm.s32 $_size_execute0_lowered;
	s3 =	sadd.s32 s3, s5;
	[dreg:$0x0] =	wrdreg $0x0  }
0xa8: {  	s5 =	sshll.u32 s28, $0x1;
	[dreg:$0x2] =	wrdreg s3  }
0xa9: {  	[dreg:$0x3] =	wrdreg s5  }
0xaa: {  	[dreg:$0x4] =	wrdreg $0xC0  }
0xab: {  	_ =	task [dreg:s7], $0x5FFFF  }
0xac: {  	[dreg:$0x1] =	wrdreg $0xFFFFFFFF  }
0xad: {  	[dreg:$0x0] =	wrdreg $0x60  }
0xae: {  	[dreg:$0x2] =	wrdreg s2  }
0xaf: {  	[dreg:$0x3] =	wrdreg s24  }
0xb0: {  	[dreg:$0x4] =	wrdreg $0x9  }
0xb1: {  	_ =	task.clear_ibuf [dreg:s7], $0x5FFFF;
	_ =	strace $0x90000046  }
0xb2: {  	s29 =	simm.s32 $0x9;
	_ =	strace $0x80000048  }
0xb3: {  	_ =	swait.ge [sflag:s29], $0x1  }
0xb4: {  	[sflag:s29] =	ssyncadd.s32 $0xFFFFFFFF  }
0xb5: {  	_ =	strace $0x90000048  }
0xb6: {  	_ =	sfence  }
0xb7: {  	s30 =	sld [smem:$0x0];
	_ =	sdelay $0x2  }
0xb8: {  	s31 =	sshll.u32 s1, $0xD;
	s1 =	sshrl.u32 s1, $0x2  }
0xb9: {  	s3 =	sand.u32 $0x4000, s31;
	s1 =	sadd.s32 s1, s30  }
0xba: {  	s0 =	sor.u32 s3, s0;
	s1 =	sshll.u32 s1, $0x11  }
0xbb: {  	s0 =	sor.u32 s1, s0  }
0xbc: {  	s0 =	sadd.s32 $0x8F2B, s0  }
0xbd: {  	[sflag:s0] =	ssyncadd.remote.s32 $0x1  }
0xbe: {  	_ =	sfence.sel $0xFFFF  }
0xbf: {  	[dreg:$0x0] =	wrdreg $0xFFFFFFFF;
	(pc) =	sbr.abs _section_cstart, $3  }
0xc0: {  	[dreg:$0x1] =	wrdreg $0xFFFFFFFF  }
0xc1: {  	_ =	task.clear_ibuf [dreg:s7], $0x2FFFF;
	_ =	strace $0x9FFFFFFF  }
0xc2: {  	(tm) =	ssettm $0x7FFFFFFF  }
0xc3: {  	_ =	shalt  }
tec
execute0_lowered:
.L_overlay_start_1:
0x0: {  	(tag) =	ssettag $0x1  }
0x1: {  	s5 =	rddreg [dreg:$0x0]  }
0x2: {  	s3 =	rddreg [dreg:$0x1]  }
0x3: {  	s0 =	rddreg [dreg:$0x2];
	s2 =	simm.s32 $0x0;
	s1 =	stileid.u32  }
0x4: {  	s6 =	srdreg.scid;
	s11 =	simm.s32 $0x1;
	s12 =	simm.s32 $0x2  }
0x5: {  	s13 =	simm.s32 $0x0;
	[smem:$0x7FF] =	sst s2;
	s7 =	sshrl.u32 s1, $0x2  }
0x6: {  	s6 =	sand.u32 $0x1, s6;
	s9 =	sshll.u32 s1, $0x1;
	s4 =	smul.u32 $0x700, s7  }
0x7: {  	_ =	strace $0x80000047;
	s30 =	ssub.s32 $0x2, s6;
	s9 =	sand.u32 $0x6, s9  }
0x8: {  	s31 =	sshll.u32 s7, $0xE;
	s7 =	smul.u32 $0x700000, s7;
	s10 =	sshrl.u32 s30, $0x1  }
0x9: {  	s6 =	sor.u32 s6, s9;
	s9 =	sadd.s32 s5, s31;
	s8 =	sadd.s32 s4, s3  }
0xa: {  	s3 =	sadd.s32 $0x2800, s3;
	s4 =	sshll.u32 s6, $0x6;
	s6 =	sshll.u32 s6, $0xB  }
0xb: {  	s10 =	ssub.s32 s30, s10;
	s5 =	sadd.s32 $0xC00, s8;
	s6 =	sadd.s32 s6, s9  }
0xc: {  	s8 =	smax.u32 s10, $0x1;
	s9 =	simm.s32 $0x3;
	s10 =	simm.s32 $0x3800  }
.LBB2_1:
0xd: {  	[tilespmem:s2], [sflag:$0x3] =	stream.linear.gather [hbm4b:s5+s2], $0x3800, $0x38;
	[tilespmem:$0xE800] =	vst v63  }
0xe: {  	_ =	swait.ge [sflag:s9], $0x3800  }
0xf: {  	[sflag:s9] =	ssyncset.done $0x0  }
0x10: {  	[sflag:s9] =	ssyncadd.s32 $0xFFFFC800  }
0x11: {  	[tilespmem:s10], [sflag:$0x3] =	stream.linear.gather [hbm4b:s6+s2], $0x4000, $0x38;
	[tilespmem:$0xE800] =	vst v63  }
0x12: {  	_ =	swait.ge [sflag:s9], $0x4000  }
0x13: {  	[sflag:s9] =	ssyncset.done $0x0  }
0x14: {  	p0 =	por $0x0, $0x0;
	s14 =	simm.s32 $0x0;
	[sflag:s9] =	ssyncadd.s32 $0xFFFFC000  }
.LBB2_2:
0x15: {  	s15 =	sand.u32 $0x1, s14;
	p1 =	slt.u32 s14, $0x2  }
0x16: {  	s16 =	sadd.s32 @!p1 $0x1, s15  }
0x17: {  	s17 =	sshll.u32 s14, $0x8;
	s18 =	sshll.u32 s14, $0x7;
	_ =	swait.ge @!p1 [sflag:s16], $0x3800  }
0x18: {  	s17 =	sand.u32 $0x3800, s17;
	s18 =	sand.u32 $0x380, s18;
	[sflag:s16] =	ssyncset.done @!p1 $0x0  }
0x19: {  	s29 =	sor.u32 s18, s17;
	[sflag:s16] =	ssyncadd.s32 @!p1 $0xFFFFC800  }
0x1a: {  	v0 =	vld [tilespmem:s29+$0x3800]  }
0x1b: {  	v1 =	vld [tilespmem:s29+$0x3810]  }
0x1c: {  	v2 =	vld [tilespmem:s29+$0x3820]  }
0x1d: {  	v3 =	vld [tilespmem:s29+$0x3830]  }
0x1e: {  	v4 =	vld [tilespmem:s29+$0x3840]  }
0x1f: {  	v5 =	vld [tilespmem:s29+$0x3850]  }
0x20: {  	v6 =	vld [tilespmem:s29+$0x3860]  }
0x21: {  	v7 =	vld [tilespmem:s29+$0x3870]  }
0x22: {  	v8 =	vld [tilespmem:s29+$0x3C00]  }
0x23: {  	v9 =	vld [tilespmem:s29+$0x3C10]  }
0x24: {  	v10 =	vld [tilespmem:s29+$0x3C20]  }
0x25: {  	v11 =	vld [tilespmem:s29+$0x3C30]  }
0x26: {  	v12 =	vld [tilespmem:s29+$0x3C40]  }
0x27: {  	v13 =	vld [tilespmem:s29+$0x3C50]  }
0x28: {  	s30 =	smul.u32 $0xE000, s15;
	v14 =	vld [tilespmem:s29+$0x3C60]  }
0x29: {  	s17 =	simm.s32 $0x0;
	v15 =	vld [tilespmem:s29+$0x3C70]  }
0x2a: {  	s31 =	sshrl.u32 s30, $0x2;
	v17 =	vld [tilespmem:s17+$0x380]  }
0x2b: {  	s16 =	sadd.s32 $0x7800, s31;
	v18 =	vld [tilespmem:s17+$0x0]  }
0x2c: {  	v16 =	vmov s16;
	v19 =	vld [tilespmem:s17+$0x80]  }
0x2d: {  	v20 =	vld [tilespmem:s17+$0x100]  }
0x2e: {  	v21 =	vld [tilespmem:s17+$0x180]  }
0x2f: {  	v22 =	vld [tilespmem:s17+$0x200];
	v17 =	vadd.f32 v17, v0  }
0x30: {  	v23 =	vld [tilespmem:s17+$0x280];
	v18 =	vadd.f32 v18, v0  }
0x31: {  	v24 =	vld [tilespmem:s17+$0x300];
	v19 =	vadd.f32 v19, v0;
	[tilespmem:v16+s17+$0x380 ss:$0x1] =	vst.idx.msk $0xffff, v17  }
0x32: {  	[tilespmem:v16+s17+$0x0 ss:$0x1] =	vst.idx.msk $0xffff, v18;
	v17 =	vadd.f32 v20, v0;
	v18 =	vld [tilespmem:s17+$0x390]  }
0x33: {  	[tilespmem:v16+s17+$0x80 ss:$0x1] =	vst.idx.msk $0xffff, v19;
	v19 =	vadd.f32 v21, v0;
	v20 =	vld [tilespmem:s17+$0x10]  }
0x34: {  	v21 =	vld [tilespmem:s17+$0x90];
	[tilespmem:v16+s17+$0x100 ss:$0x1] =	vst.idx.msk $0xffff, v17;
	v17 =	vadd.f32 v22, v0  }
0x35: {  	[tilespmem:v16+s17+$0x180 ss:$0x1] =	vst.idx.msk $0xffff, v19;
	v19 =	vadd.f32 v23, v0;
	v22 =	vld [tilespmem:s17+$0x110]  }
0x36: {  	v23 =	vld [tilespmem:s17+$0x190];
	[tilespmem:v16+s17+$0x200 ss:$0x1] =	vst.idx.msk $0xffff, v17;
	v17 =	vadd.f32 v24, v0  }
0x37: {  	[tilespmem:v16+s17+$0x280 ss:$0x1] =	vst.idx.msk $0xffff, v19;
	v44 =	vld [tilespmem:s17+$0x210];
	v18 =	vadd.f32 v18, v1  }
0x38: {  	v19 =	vadd.f32 v20, v1;
	v20 =	vld [tilespmem:s17+$0x290];
	[tilespmem:v16+s17+$0x300 ss:$0x1] =	vst.idx.msk $0xffff, v17  }
0x39: {  	v17 =	vadd.f32 v21, v1;
	v21 =	vld [tilespmem:s17+$0x310];
	[tilespmem:v16+s17+$0x390 ss:$0x1] =	vst.idx.msk $0xffff, v18  }
0x3a: {  	[tilespmem:v16+s17+$0x10 ss:$0x1] =	vst.idx.msk $0xffff, v19;
	v18 =	vadd.f32 v22, v1;
	v19 =	vld [tilespmem:s17+$0x3A0]  }
0x3b: {  	[tilespmem:v16+s17+$0x90 ss:$0x1] =	vst.idx.msk $0xffff, v17;
	v17 =	vadd.f32 v23, v1;
	v22 =	vld [tilespmem:s17+$0x20]  }
0x3c: {  	v23 =	vld [tilespmem:s17+$0xA0];
	[tilespmem:v16+s17+$0x110 ss:$0x1] =	vst.idx.msk $0xffff, v18;
	v18 =	vadd.f32 v44, v1  }
0x3d: {  	[tilespmem:v16+s17+$0x190 ss:$0x1] =	vst.idx.msk $0xffff, v17;
	v45 =	vld [tilespmem:s17+$0x120];
	v17 =	vadd.f32 v20, v1  }
0x3e: {  	v20 =	vld [tilespmem:s17+$0x1A0];
	[tilespmem:v16+s17+$0x210 ss:$0x1] =	vst.idx.msk $0xffff, v18;
	v18 =	vadd.f32 v21, v1  }
0x3f: {  	v21 =	vld [tilespmem:s17+$0x220];
	[tilespmem:v16+s17+$0x290 ss:$0x1] =	vst.idx.msk $0xffff, v17;
	v17 =	vadd.f32 v19, v2  }
0x40: {  	v19 =	vadd.f32 v22, v2;
	v22 =	vld [tilespmem:s17+$0x2A0];
	[tilespmem:v16+s17+$0x310 ss:$0x1] =	vst.idx.msk $0xffff, v18  }
0x41: {  	v18 =	vadd.f32 v23, v2;
	v23 =	vld [tilespmem:s17+$0x320];
	[tilespmem:v16+s17+$0x3A0 ss:$0x1] =	vst.idx.msk $0xffff, v17  }
0x42: {  	[tilespmem:v16+s17+$0x20 ss:$0x1] =	vst.idx.msk $0xffff, v19;
	v17 =	vadd.f32 v45, v2;
	v19 =	vld [tilespmem:s17+$0x3B0]  }
0x43: {  	[tilespmem:v16+s17+$0xA0 ss:$0x1] =	vst.idx.msk $0xffff, v18;
	v18 =	vadd.f32 v20, v2;
	v46 =	vld [tilespmem:s17+$0x30]  }
0x44: {  	v20 =	vld [tilespmem:s17+$0xB0];
	[tilespmem:v16+s17+$0x120 ss:$0x1] =	vst.idx.msk $0xffff, v17;
	v17 =	vadd.f32 v21, v2  }
0x45: {  	[tilespmem:v16+s17+$0x1A0 ss:$0x1] =	vst.idx.msk $0xffff, v18;
	v21 =	vld [tilespmem:s17+$0x130];
	v18 =	vadd.f32 v22, v2  }
0x46: {  	v22 =	vld [tilespmem:s17+$0x1B0];
	[tilespmem:v16+s17+$0x220 ss:$0x1] =	vst.idx.msk $0xffff, v17;
	v17 =	vadd.f32 v23, v2  }
0x47: {  	v23 =	vld [tilespmem:s17+$0x230];
	[tilespmem:v16+s17+$0x2A0 ss:$0x1] =	vst.idx.msk $0xffff, v18;
	v18 =	vadd.f32 v19, v3  }
0x48: {  	v19 =	vadd.f32 v46, v3;
	v47 =	vld [tilespmem:s17+$0x2B0];
	[tilespmem:v16+s17+$0x320 ss:$0x1] =	vst.idx.msk $0xffff, v17  }
0x49: {  	v17 =	vadd.f32 v20, v3;
	v20 =	vld [tilespmem:s17+$0x330];
	[tilespmem:v16+s17+$0x3B0 ss:$0x1] =	vst.idx.msk $0xffff, v18  }
0x4a: {  	[tilespmem:v16+s17+$0x30 ss:$0x1] =	vst.idx.msk $0xffff, v19;
	v18 =	vadd.f32 v21, v3;
	v19 =	vld [tilespmem:s17+$0x3C0]  }
0x4b: {  	[tilespmem:v16+s17+$0xB0 ss:$0x1] =	vst.idx.msk $0xffff, v17;
	v17 =	vadd.f32 v22, v3;
	v21 =	vld [tilespmem:s17+$0x40]  }
0x4c: {  	v22 =	vld [tilespmem:s17+$0xC0];
	[tilespmem:v16+s17+$0x130 ss:$0x1] =	vst.idx.msk $0xffff, v18;
	v18 =	vadd.f32 v23, v3  }
0x4d: {  	[tilespmem:v16+s17+$0x1B0 ss:$0x1] =	vst.idx.msk $0xffff, v17;
	v23 =	vld [tilespmem:s17+$0x140];
	v17 =	vadd.f32 v47, v3  }
0x4e: {  	v48 =	vld [tilespmem:s17+$0x1C0];
	[tilespmem:v16+s17+$0x230 ss:$0x1] =	vst.idx.msk $0xffff, v18;
	v18 =	vadd.f32 v20, v3  }
0x4f: {  	v20 =	vld [tilespmem:s17+$0x240];
	[tilespmem:v16+s17+$0x2B0 ss:$0x1] =	vst.idx.msk $0xffff, v17;
	v17 =	vadd.f32 v19, v4  }
0x50: {  	v19 =	vadd.f32 v21, v4;
	v21 =	vld [tilespmem:s17+$0x2C0];
	[tilespmem:v16+s17+$0x330 ss:$0x1] =	vst.idx.msk $0xffff, v18  }
0x51: {  	v18 =	vadd.f32 v22, v4;
	v22 =	vld [tilespmem:s17+$0x340];
	[tilespmem:v16+s17+$0x3C0 ss:$0x1] =	vst.idx.msk $0xffff, v17  }
0x52: {  	[tilespmem:v16+s17+$0x40 ss:$0x1] =	vst.idx.msk $0xffff, v19;
	v17 =	vadd.f32 v23, v4;
	v19 =	vld [tilespmem:s17+$0x3D0]  }
0x53: {  	[tilespmem:v16+s17+$0xC0 ss:$0x1] =	vst.idx.msk $0xffff, v18;
	v18 =	vadd.f32 v48, v4;
	v23 =	vld [tilespmem:s17+$0x50]  }
0x54: {  	v49 =	vld [tilespmem:s17+$0xD0];
	[tilespmem:v16+s17+$0x140 ss:$0x1] =	vst.idx.msk $0xffff, v17;
	v17 =	vadd.f32 v20, v4  }
0x55: {  	[tilespmem:v16+s17+$0x1C0 ss:$0x1] =	vst.idx.msk $0xffff, v18;
	v20 =	vld [tilespmem:s17+$0x150];
	v18 =	vadd.f32 v21, v4  }
0x56: {  	v21 =	vld [tilespmem:s17+$0x1D0];
	[tilespmem:v16+s17+$0x240 ss:$0x1] =	vst.idx.msk $0xffff, v17;
	v17 =	vadd.f32 v22, v4  }
0x57: {  	v22 =	vld [tilespmem:s17+$0x250];
	[tilespmem:v16+s17+$0x2C0 ss:$0x1] =	vst.idx.msk $0xffff, v18;
	v18 =	vadd.f32 v19, v5  }
0x58: {  	v19 =	vadd.f32 v23, v5;
	v23 =	vld [tilespmem:s17+$0x2D0];
	[tilespmem:v16+s17+$0x340 ss:$0x1] =	vst.idx.msk $0xffff, v17  }
0x59: {  	v17 =	vadd.f32 v49, v5;
	v50 =	vld [tilespmem:s17+$0x350];
	[tilespmem:v16+s17+$0x3D0 ss:$0x1] =	vst.idx.msk $0xffff, v18  }
0x5a: {  	[tilespmem:v16+s17+$0x50 ss:$0x1] =	vst.idx.msk $0xffff, v19;
	v18 =	vadd.f32 v20, v5;
	v19 =	vld [tilespmem:s17+$0x3E0]  }
0x5b: {  	[tilespmem:v16+s17+$0xD0 ss:$0x1] =	vst.idx.msk $0xffff, v17;
	v17 =	vadd.f32 v21, v5;
	v20 =	vld [tilespmem:s17+$0x60]  }
0x5c: {  	v21 =	vld [tilespmem:s17+$0xE0];
	[tilespmem:v16+s17+$0x150 ss:$0x1] =	vst.idx.msk $0xffff, v18;
	v18 =	vadd.f32 v22, v5  }
0x5d: {  	[tilespmem:v16+s17+$0x1D0 ss:$0x1] =	vst.idx.msk $0xffff, v17;
	v22 =	vld [tilespmem:s17+$0x160];
	v17 =	vadd.f32 v23, v5  }
0x5e: {  	v23 =	vld [tilespmem:s17+$0x1E0];
	[tilespmem:v16+s17+$0x250 ss:$0x1] =	vst.idx.msk $0xffff, v18;
	v18 =	vadd.f32 v50, v5  }
0x5f: {  	v51 =	vld [tilespmem:s17+$0x260];
	[tilespmem:v16+s17+$0x2D0 ss:$0x1] =	vst.idx.msk $0xffff, v17;
	v17 =	vadd.f32 v19, v6  }
0x60: {  	v19 =	vadd.f32 v20, v6;
	v20 =	vld [tilespmem:s17+$0x2E0];
	[tilespmem:v16+s17+$0x350 ss:$0x1] =	vst.idx.msk $0xffff, v18  }
0x61: {  	v18 =	vadd.f32 v21, v6;
	v21 =	vld [tilespmem:s17+$0x360];
	[tilespmem:v16+s17+$0x3E0 ss:$0x1] =	vst.idx.msk $0xffff, v17  }
0x62: {  	[tilespmem:v16+s17+$0x60 ss:$0x1] =	vst.idx.msk $0xffff, v19;
	v17 =	vadd.f32 v22, v6;
	v19 =	vld [tilespmem:s17+$0x3F0]  }
0x63: {  	[tilespmem:v16+s17+$0xE0 ss:$0x1] =	vst.idx.msk $0xffff, v18;
	v18 =	vadd.f32 v23, v6;
	v22 =	vld [tilespmem:s17+$0x70]  }
0x64: {  	v23 =	vld [tilespmem:s17+$0xF0];
	[tilespmem:v16+s17+$0x160 ss:$0x1] =	vst.idx.msk $0xffff, v17;
	v17 =	vadd.f32 v51, v6  }
0x65: {  	[tilespmem:v16+s17+$0x1E0 ss:$0x1] =	vst.idx.msk $0xffff, v18;
	v52 =	vld [tilespmem:s17+$0x170];
	v18 =	vadd.f32 v20, v6  }
0x66: {  	v20 =	vld [tilespmem:s17+$0x1F0];
	[tilespmem:v16+s17+$0x260 ss:$0x1] =	vst.idx.msk $0xffff, v17;
	v17 =	vadd.f32 v21, v6  }
0x67: {  	v21 =	vld [tilespmem:s17+$0x270];
	[tilespmem:v16+s17+$0x2E0 ss:$0x1] =	vst.idx.msk $0xffff, v18;
	v18 =	vadd.f32 v19, v7  }
0x68: {  	v19 =	vadd.f32 v22, v7;
	v22 =	vld [tilespmem:s17+$0x2F0];
	[tilespmem:v16+s17+$0x360 ss:$0x1] =	vst.idx.msk $0xffff, v17  }
0x69: {  	v17 =	vadd.f32 v23, v7;
	v23 =	vld [tilespmem:s17+$0x370];
	[tilespmem:v16+s17+$0x3F0 ss:$0x1] =	vst.idx.msk $0xffff, v18  }
0x6a: {  	[tilespmem:v16+s17+$0x70 ss:$0x1] =	vst.idx.msk $0xffff, v19;
	v18 =	vadd.f32 v52, v7;
	v19 =	vld [tilespmem:s17+$0x780]  }
0x6b: {  	[tilespmem:v16+s17+$0xF0 ss:$0x1] =	vst.idx.msk $0xffff, v17;
	v17 =	vadd.f32 v20, v7;
	v53 =	vld [tilespmem:s17+$0x400]  }
0x6c: {  	v20 =	vld [tilespmem:s17+$0x480];
	[tilespmem:v16+s17+$0x170 ss:$0x1] =	vst.idx.msk $0xffff, v18;
	v18 =	vadd.f32 v21, v7  }
0x6d: {  	[tilespmem:v16+s17+$0x1F0 ss:$0x1] =	vst.idx.msk $0xffff, v17;
	v21 =	vld [tilespmem:s17+$0x500];
	v17 =	vadd.f32 v22, v7  }
0x6e: {  	v22 =	vld [tilespmem:s17+$0x580];
	[tilespmem:v16+s17+$0x270 ss:$0x1] =	vst.idx.msk $0xffff, v18;
	v18 =	vadd.f32 v23, v7  }
0x6f: {  	v23 =	vld [tilespmem:s17+$0x600];
	[tilespmem:v16+s17+$0x2F0 ss:$0x1] =	vst.idx.msk $0xffff, v17;
	v17 =	vadd.f32 v19, v8  }
0x70: {  	v19 =	vadd.f32 v53, v8;
	v54 =	vld [tilespmem:s17+$0x680];
	[tilespmem:v16+s17+$0x370 ss:$0x1] =	vst.idx.msk $0xffff, v18  }
0x71: {  	v18 =	vadd.f32 v20, v8;
	v20 =	vld [tilespmem:s17+$0x700];
	[tilespmem:v16+s17+$0x780 ss:$0x1] =	vst.idx.msk $0xffff, v17  }
0x72: {  	[tilespmem:v16+s17+$0x400 ss:$0x1] =	vst.idx.msk $0xffff, v19;
	v17 =	vadd.f32 v21, v8;
	v19 =	vld [tilespmem:s17+$0x790]  }
0x73: {  	[tilespmem:v16+s17+$0x480 ss:$0x1] =	vst.idx.msk $0xffff, v18;
	v18 =	vadd.f32 v22, v8;
	v21 =	vld [tilespmem:s17+$0x410]  }
0x74: {  	v22 =	vld [tilespmem:s17+$0x490];
	[tilespmem:v16+s17+$0x500 ss:$0x1] =	vst.idx.msk $0xffff, v17;
	v17 =	vadd.f32 v23, v8  }
0x75: {  	[tilespmem:v16+s17+$0x580 ss:$0x1] =	vst.idx.msk $0xffff, v18;
	v23 =	vld [tilespmem:s17+$0x510];
	v18 =	vadd.f32 v54, v8  }
0x76: {  	v55 =	vld [tilespmem:s17+$0x590];
	[tilespmem:v16+s17+$0x600 ss:$0x1] =	vst.idx.msk $0xffff, v17;
	v17 =	vadd.f32 v20, v8  }
0x77: {  	v20 =	vld [tilespmem:s17+$0x610];
	[tilespmem:v16+s17+$0x680 ss:$0x1] =	vst.idx.msk $0xffff, v18;
	v18 =	vadd.f32 v19, v9  }
0x78: {  	v19 =	vadd.f32 v21, v9;
	v21 =	vld [tilespmem:s17+$0x690];
	[tilespmem:v16+s17+$0x700 ss:$0x1] =	vst.idx.msk $0xffff, v17  }
0x79: {  	v17 =	vadd.f32 v22, v9;
	v22 =	vld [tilespmem:s17+$0x710];
	[tilespmem:v16+s17+$0x790 ss:$0x1] =	vst.idx.msk $0xffff, v18  }
0x7a: {  	[tilespmem:v16+s17+$0x410 ss:$0x1] =	vst.idx.msk $0xffff, v19;
	v18 =	vadd.f32 v23, v9;
	v19 =	vld [tilespmem:s17+$0x7A0]  }
0x7b: {  	[tilespmem:v16+s17+$0x490 ss:$0x1] =	vst.idx.msk $0xffff, v17;
	v17 =	vadd.f32 v55, v9;
	v23 =	vld [tilespmem:s17+$0x420]  }
0x7c: {  	v56 =	vld [tilespmem:s17+$0x4A0];
	[tilespmem:v16+s17+$0x510 ss:$0x1] =	vst.idx.msk $0xffff, v18;
	v18 =	vadd.f32 v20, v9  }
0x7d: {  	[tilespmem:v16+s17+$0x590 ss:$0x1] =	vst.idx.msk $0xffff, v17;
	v20 =	vld [tilespmem:s17+$0x520];
	v17 =	vadd.f32 v21, v9  }
0x7e: {  	v21 =	vld [tilespmem:s17+$0x5A0];
	[tilespmem:v16+s17+$0x610 ss:$0x1] =	vst.idx.msk $0xffff, v18;
	v18 =	vadd.f32 v22, v9  }
0x7f: {  	v22 =	vld [tilespmem:s17+$0x620];
	[tilespmem:v16+s17+$0x690 ss:$0x1] =	vst.idx.msk $0xffff, v17;
	v17 =	vadd.f32 v19, v10  }
0x80: {  	v19 =	vadd.f32 v23, v10;
	v23 =	vld [tilespmem:s17+$0x6A0];
	[tilespmem:v16+s17+$0x710 ss:$0x1] =	vst.idx.msk $0xffff, v18  }
0x81: {  	v18 =	vadd.f32 v56, v10;
	v57 =	vld [tilespmem:s17+$0x720];
	[tilespmem:v16+s17+$0x7A0 ss:$0x1] =	vst.idx.msk $0xffff, v17  }
0x82: {  	[tilespmem:v16+s17+$0x420 ss:$0x1] =	vst.idx.msk $0xffff, v19;
	v17 =	vadd.f32 v20, v10;
	v19 =	vld [tilespmem:s17+$0x7B0]  }
0x83: {  	[tilespmem:v16+s17+$0x4A0 ss:$0x1] =	vst.idx.msk $0xffff, v18;
	v18 =	vadd.f32 v21, v10;
	v20 =	vld [tilespmem:s17+$0x430]  }
0x84: {  	v21 =	vld [tilespmem:s17+$0x4B0];
	[tilespmem:v16+s17+$0x520 ss:$0x1] =	vst.idx.msk $0xffff, v17;
	v17 =	vadd.f32 v22, v10  }
0x85: {  	[tilespmem:v16+s17+$0x5A0 ss:$0x1] =	vst.idx.msk $0xffff, v18;
	v22 =	vld [tilespmem:s17+$0x530];
	v18 =	vadd.f32 v23, v10  }
0x86: {  	v23 =	vld [tilespmem:s17+$0x5B0];
	[tilespmem:v16+s17+$0x620 ss:$0x1] =	vst.idx.msk $0xffff, v17;
	v17 =	vadd.f32 v57, v10  }
0x87: {  	v58 =	vld [tilespmem:s17+$0x630];
	[tilespmem:v16+s17+$0x6A0 ss:$0x1] =	vst.idx.msk $0xffff, v18;
	v18 =	vadd.f32 v19, v11  }
0x88: {  	v19 =	vadd.f32 v20, v11;
	v20 =	vld [tilespmem:s17+$0x6B0];
	[tilespmem:v16+s17+$0x720 ss:$0x1] =	vst.idx.msk $0xffff, v17  }
0x89: {  	v17 =	vadd.f32 v21, v11;
	v21 =	vld [tilespmem:s17+$0x730];
	[tilespmem:v16+s17+$0x7B0 ss:$0x1] =	vst.idx.msk $0xffff, v18  }
0x8a: {  	[tilespmem:v16+s17+$0x430 ss:$0x1] =	vst.idx.msk $0xffff, v19;
	v18 =	vadd.f32 v22, v11;
	v19 =	vld [tilespmem:s17+$0x7C0]  }
0x8b: {  	[tilespmem:v16+s17+$0x4B0 ss:$0x1] =	vst.idx.msk $0xffff, v17;
	v17 =	vadd.f32 v23, v11;
	v22 =	vld [tilespmem:s17+$0x440]  }
0x8c: {  	v23 =	vld [tilespmem:s17+$0x4C0];
	[tilespmem:v16+s17+$0x530 ss:$0x1] =	vst.idx.msk $0xffff, v18;
	v18 =	vadd.f32 v58, v11  }
0x8d: {  	[tilespmem:v16+s17+$0x5B0 ss:$0x1] =	vst.idx.msk $0xffff, v17;
	v59 =	vld [tilespmem:s17+$0x540];
	v17 =	vadd.f32 v20, v11  }
0x8e: {  	v20 =	vld [tilespmem:s17+$0x5C0];
	[tilespmem:v16+s17+$0x630 ss:$0x1] =	vst.idx.msk $0xffff, v18;
	v18 =	vadd.f32 v21, v11  }
0x8f: {  	v21 =	vld [tilespmem:s17+$0x640];
	[tilespmem:v16+s17+$0x6B0 ss:$0x1] =	vst.idx.msk $0xffff, v17;
	v17 =	vadd.f32 v19, v12  }
0x90: {  	v19 =	vadd.f32 v22, v12;
	v22 =	vld [tilespmem:s17+$0x6C0];
	[tilespmem:v16+s17+$0x730 ss:$0x1] =	vst.idx.msk $0xffff, v18  }
0x91: {  	v18 =	vadd.f32 v23, v12;
	v23 =	vld [tilespmem:s17+$0x740];
	[tilespmem:v16+s17+$0x7C0 ss:$0x1] =	vst.idx.msk $0xffff, v17  }
0x92: {  	[tilespmem:v16+s17+$0x440 ss:$0x1] =	vst.idx.msk $0xffff, v19;
	v17 =	vadd.f32 v59, v12;
	v19 =	vld [tilespmem:s17+$0x7D0]  }
0x93: {  	[tilespmem:v16+s17+$0x4C0 ss:$0x1] =	vst.idx.msk $0xffff, v18;
	v18 =	vadd.f32 v20, v12;
	v60 =	vld [tilespmem:s17+$0x450]  }
0x94: {  	v20 =	vld [tilespmem:s17+$0x4D0];
	[tilespmem:v16+s17+$0x540 ss:$0x1] =	vst.idx.msk $0xffff, v17;
	v17 =	vadd.f32 v21, v12  }
0x95: {  	[tilespmem:v16+s17+$0x5C0 ss:$0x1] =	vst.idx.msk $0xffff, v18;
	v21 =	vld [tilespmem:s17+$0x550];
	v18 =	vadd.f32 v22, v12  }
0x96: {  	v22 =	vld [tilespmem:s17+$0x5D0];
	[tilespmem:v16+s17+$0x640 ss:$0x1] =	vst.idx.msk $0xffff, v17;
	v17 =	vadd.f32 v23, v12  }
0x97: {  	v23 =	vld [tilespmem:s17+$0x650];
	[tilespmem:v16+s17+$0x6C0 ss:$0x1] =	vst.idx.msk $0xffff, v18;
	v18 =	vadd.f32 v19, v13  }
0x98: {  	v19 =	vadd.f32 v60, v13;
	v61 =	vld [tilespmem:s17+$0x6D0];
	[tilespmem:v16+s17+$0x740 ss:$0x1] =	vst.idx.msk $0xffff, v17  }
0x99: {  	v17 =	vadd.f32 v20, v13;
	v20 =	vld [tilespmem:s17+$0x750];
	[tilespmem:v16+s17+$0x7D0 ss:$0x1] =	vst.idx.msk $0xffff, v18  }
0x9a: {  	[tilespmem:v16+s17+$0x450 ss:$0x1] =	vst.idx.msk $0xffff, v19;
	v18 =	vadd.f32 v21, v13;
	v19 =	vld [tilespmem:s17+$0x7E0]  }
0x9b: {  	[tilespmem:v16+s17+$0x4D0 ss:$0x1] =	vst.idx.msk $0xffff, v17;
	v17 =	vadd.f32 v22, v13;
	v21 =	vld [tilespmem:s17+$0x460]  }
0x9c: {  	v22 =	vld [tilespmem:s17+$0x4E0];
	[tilespmem:v16+s17+$0x550 ss:$0x1] =	vst.idx.msk $0xffff, v18;
	v18 =	vadd.f32 v23, v13  }
0x9d: {  	[tilespmem:v16+s17+$0x5D0 ss:$0x1] =	vst.idx.msk $0xffff, v17;
	v23 =	vld [tilespmem:s17+$0x560];
	v17 =	vadd.f32 v61, v13  }
0x9e: {  	v62 =	vld [tilespmem:s17+$0x5E0];
	[tilespmem:v16+s17+$0x650 ss:$0x1] =	vst.idx.msk $0xffff, v18;
	v18 =	vadd.f32 v20, v13  }
0x9f: {  	v20 =	vld [tilespmem:s17+$0x660];
	[tilespmem:v16+s17+$0x6D0 ss:$0x1] =	vst.idx.msk $0xffff, v17;
	v17 =	vadd.f32 v19, v14  }
0xa0: {  	v19 =	vadd.f32 v21, v14;
	v21 =	vld [tilespmem:s17+$0x6E0];
	[tilespmem:v16+s17+$0x750 ss:$0x1] =	vst.idx.msk $0xffff, v18  }
0xa1: {  	v18 =	vadd.f32 v22, v14;
	v22 =	vld [tilespmem:s17+$0x760];
	[tilespmem:v16+s17+$0x7E0 ss:$0x1] =	vst.idx.msk $0xffff, v17  }
0xa2: {  	[tilespmem:v16+s17+$0x460 ss:$0x1] =	vst.idx.msk $0xffff, v19;
	v17 =	vadd.f32 v23, v14;
	v23 =	vld [tilespmem:s17+$0x7F0]  }
0xa3: {  	s18 =	simm.s32 $0x1;
	[tilespmem:v16+s17+$0x4E0 ss:$0x1] =	vst.idx.msk $0xffff, v18;
	v18 =	vadd.f32 v62, v14;
	v25 =	vld [tilespmem:s17+$0x470]  }
0xa4: {  	s18 =	simm.s32 @!p0 $0x0;
	v19 =	vld [tilespmem:s17+$0x4F0];
	[tilespmem:v16+s17+$0x560 ss:$0x1] =	vst.idx.msk $0xffff, v17;
	v20 =	vadd.f32 v20, v14  }
0xa5: {  	s18 =	smul.u32 $0xE000, s18;
	[tilespmem:v16+s17+$0x5E0 ss:$0x1] =	vst.idx.msk $0xffff, v18;
	v17 =	vld [tilespmem:s17+$0x570];
	v21 =	vadd.f32 v21, v14  }
0xa6: {  	v18 =	vld [tilespmem:s17+$0x5F0];
	[tilespmem:v16+s17+$0x660 ss:$0x1] =	vst.idx.msk $0xffff, v20;
	v63 =	vadd.f32 v22, v14  }
0xa7: {  	s18 =	sshrl.u32 s18, $0x2;
	v20 =	vld [tilespmem:s17+$0x670];
	[tilespmem:v16+s17+$0x6E0 ss:$0x1] =	vst.idx.msk $0xffff, v21;
	v23 =	vadd.f32 v23, v15  }
0xa8: {  	s19 =	simm.s32 $0x0;
	s20 =	simm.s32 $0x8;
	s18 =	sadd.s32 $0xAC70, s18;
	v22 =	vadd.f32 v25, v15;
	v21 =	vld [tilespmem:s17+$0x6F0];
	[tilespmem:v16+s17+$0x760 ss:$0x1] =	vst.idx.msk $0xffff, v63  }
.LBB2_3:
0xa9: {  	s21 =	sshll.u32 s20, $0x8;
	p1 =	slt.u32 s20, $0x28;
	v19 =	vadd.f32 v19, v15;
	v24 =	vld [tilespmem:s17+$0x770];
	[tilespmem:v16+s17+$0x7F0 ss:$0x1] =	vst.idx.msk $0xffff, v23  }
0xaa: {  	v23 =	vld [tilespmem:s21+$0x380];
	[tilespmem:v16+s17+$0x470 ss:$0x1] =	vst.idx.msk $0xffff, v22;
	v17 =	vadd.f32 v17, v15  }
0xab: {  	v22 =	vld [tilespmem:s21+$0x0];
	[tilespmem:v16+s17+$0x4F0 ss:$0x1] =	vst.idx.msk $0xffff, v19;
	v18 =	vadd.f32 v18, v15  }
0xac: {  	v19 =	vld [tilespmem:s21+$0x80];
	[tilespmem:v16+s17+$0x570 ss:$0x1] =	vst.idx.msk $0xffff, v17;
	v17 =	vadd.f32 v20, v15  }
0xad: {  	v20 =	vld [tilespmem:s21+$0x100];
	[tilespmem:v16+s17+$0x5F0 ss:$0x1] =	vst.idx.msk $0xffff, v18;
	v18 =	vadd.f32 v21, v15  }
0xae: {  	v21 =	vld [tilespmem:s21+$0x180];
	[tilespmem:v16+s17+$0x670 ss:$0x1] =	vst.idx.msk $0xffff, v17;
	v17 =	vadd.f32 v24, v15  }
0xaf: {  	v24 =	vld [tilespmem:s21+$0x200];
	v23 =	vadd.f32 v23, v0;
	[tilespmem:v16+s17+$0x6F0 ss:$0x1] =	vst.idx.msk $0xffff, v18  }
0xb0: {  	v18 =	vadd.f32 v22, v0;
	v22 =	vld [tilespmem:s21+$0x280];
	[tilespmem:v16+s17+$0x770 ss:$0x1] =	vst.idx.msk $0xffff, v17;
	s17 =	smov.u32 s21  }
0xb1: {  	v17 =	vadd.f32 v19, v0;
	v19 =	vld [tilespmem:s17+$0x300];
	[tilespmem:v16+s17+$0x380 ss:$0x1] =	vst.idx.msk $0xffff, v23  }
0xb2: {  	[tilespmem:v16+s17+$0x0 ss:$0x1] =	vst.idx.msk $0xffff, v18;
	v18 =	vadd.f32 v20, v0;
	v20 =	vld [tilespmem:s17+$0x390]  }
0xb3: {  	v23 =	vld [tilespmem:s17+$0x10];
	[tilespmem:v16+s17+$0x80 ss:$0x1] =	vst.idx.msk $0xffff, v17;
	v17 =	vadd.f32 v21, v0  }
0xb4: {  	v21 =	vld [tilespmem:s17+$0x90];
	[tilespmem:v16+s17+$0x100 ss:$0x1] =	vst.idx.msk $0xffff, v18;
	v18 =	vadd.f32 v24, v0  }
0xb5: {  	v24 =	vld [tilespmem:s17+$0x110];
	[tilespmem:v16+s17+$0x180 ss:$0x1] =	vst.idx.msk $0xffff, v17;
	v17 =	vadd.f32 v22, v0  }
0xb6: {  	v22 =	vld [tilespmem:s17+$0x190];
	[tilespmem:v16+s17+$0x200 ss:$0x1] =	vst.idx.msk $0xffff, v18;
	v18 =	vadd.f32 v19, v0  }
0xb7: {  	v19 =	vld [tilespmem:s17+$0x210];
	[tilespmem:v16+s17+$0x280 ss:$0x1] =	vst.idx.msk $0xffff, v17;
	v17 =	vadd.f32 v20, v1  }
0xb8: {  	v20 =	vadd.f32 v23, v1;
	v23 =	vld [tilespmem:s17+$0x290];
	[tilespmem:v16+s17+$0x300 ss:$0x1] =	vst.idx.msk $0xffff, v18  }
0xb9: {  	v18 =	vadd.f32 v21, v1;
	v21 =	vld [tilespmem:s17+$0x310];
	[tilespmem:v16+s17+$0x390 ss:$0x1] =	vst.idx.msk $0xffff, v17  }
0xba: {  	[tilespmem:v16+s17+$0x10 ss:$0x1] =	vst.idx.msk $0xffff, v20;
	v17 =	vadd.f32 v24, v1;
	v20 =	vld [tilespmem:s17+$0x3A0]  }
0xbb: {  	v24 =	vld [tilespmem:s17+$0x20];
	[tilespmem:v16+s17+$0x90 ss:$0x1] =	vst.idx.msk $0xffff, v18;
	v18 =	vadd.f32 v22, v1  }
0xbc: {  	v22 =	vld [tilespmem:s17+$0xA0];
	[tilespmem:v16+s17+$0x110 ss:$0x1] =	vst.idx.msk $0xffff, v17;
	v17 =	vadd.f32 v19, v1  }
0xbd: {  	v19 =	vld [tilespmem:s17+$0x120];
	[tilespmem:v16+s17+$0x190 ss:$0x1] =	vst.idx.msk $0xffff, v18;
	v18 =	vadd.f32 v23, v1  }
0xbe: {  	v23 =	vld [tilespmem:s17+$0x1A0];
	[tilespmem:v16+s17+$0x210 ss:$0x1] =	vst.idx.msk $0xffff, v17;
	v17 =	vadd.f32 v21, v1  }
0xbf: {  	v21 =	vld [tilespmem:s17+$0x220];
	[tilespmem:v16+s17+$0x290 ss:$0x1] =	vst.idx.msk $0xffff, v18;
	v18 =	vadd.f32 v20, v2  }
0xc0: {  	v20 =	vadd.f32 v24, v2;
	v24 =	vld [tilespmem:s17+$0x2A0];
	[tilespmem:v16+s17+$0x310 ss:$0x1] =	vst.idx.msk $0xffff, v17  }
0xc1: {  	v17 =	vadd.f32 v22, v2;
	v22 =	vld [tilespmem:s17+$0x320];
	[tilespmem:v16+s17+$0x3A0 ss:$0x1] =	vst.idx.msk $0xffff, v18  }
0xc2: {  	[tilespmem:v16+s17+$0x20 ss:$0x1] =	vst.idx.msk $0xffff, v20;
	v18 =	vadd.f32 v19, v2;
	v19 =	vld [tilespmem:s17+$0x3B0]  }
0xc3: {  	v20 =	vld [tilespmem:s17+$0x30];
	[tilespmem:v16+s17+$0xA0 ss:$0x1] =	vst.idx.msk $0xffff, v17;
	v17 =	vadd.f32 v23, v2  }
0xc4: {  	v23 =	vld [tilespmem:s17+$0xB0];
	[tilespmem:v16+s17+$0x120 ss:$0x1] =	vst.idx.msk $0xffff, v18;
	v18 =	vadd.f32 v21, v2  }
0xc5: {  	v21 =	vld [tilespmem:s17+$0x130];
	[tilespmem:v16+s17+$0x1A0 ss:$0x1] =	vst.idx.msk $0xffff, v17;
	v17 =	vadd.f32 v24, v2  }
0xc6: {  	v24 =	vld [tilespmem:s17+$0x1B0];
	[tilespmem:v16+s17+$0x220 ss:$0x1] =	vst.idx.msk $0xffff, v18;
	v18 =	vadd.f32 v22, v2  }
0xc7: {  	v22 =	vld [tilespmem:s17+$0x230];
	[tilespmem:v16+s17+$0x2A0 ss:$0x1] =	vst.idx.msk $0xffff, v17;
	v17 =	vadd.f32 v19, v3  }
0xc8: {  	v19 =	vadd.f32 v20, v3;
	v20 =	vld [tilespmem:s17+$0x2B0];
	[tilespmem:v16+s17+$0x320 ss:$0x1] =	vst.idx.msk $0xffff, v18  }
0xc9: {  	v18 =	vadd.f32 v23, v3;
	v23 =	vld [tilespmem:s17+$0x330];
	[tilespmem:v16+s17+$0x3B0 ss:$0x1] =	vst.idx.msk $0xffff, v17  }
0xca: {  	[tilespmem:v16+s17+$0x30 ss:$0x1] =	vst.idx.msk $0xffff, v19;
	v17 =	vadd.f32 v21, v3;
	v19 =	vld [tilespmem:s17+$0x3C0]  }
0xcb: {  	v21 =	vld [tilespmem:s17+$0x40];
	[tilespmem:v16+s17+$0xB0 ss:$0x1] =	vst.idx.msk $0xffff, v18;
	v18 =	vadd.f32 v24, v3  }
0xcc: {  	v24 =	vld [tilespmem:s17+$0xC0];
	[tilespmem:v16+s17+$0x130 ss:$0x1] =	vst.idx.msk $0xffff, v17;
	v17 =	vadd.f32 v22, v3  }
0xcd: {  	v22 =	vld [tilespmem:s17+$0x140];
	[tilespmem:v16+s17+$0x1B0 ss:$0x1] =	vst.idx.msk $0xffff, v18;
	v18 =	vadd.f32 v20, v3  }
0xce: {  	v20 =	vld [tilespmem:s17+$0x1C0];
	[tilespmem:v16+s17+$0x230 ss:$0x1] =	vst.idx.msk $0xffff, v17;
	v17 =	vadd.f32 v23, v3  }
0xcf: {  	v23 =	vld [tilespmem:s17+$0x240];
	[tilespmem:v16+s17+$0x2B0 ss:$0x1] =	vst.idx.msk $0xffff, v18;
	v18 =	vadd.f32 v19, v4  }
0xd0: {  	v19 =	vadd.f32 v21, v4;
	v21 =	vld [tilespmem:s17+$0x2C0];
	[tilespmem:v16+s17+$0x330 ss:$0x1] =	vst.idx.msk $0xffff, v17  }
0xd1: {  	v17 =	vadd.f32 v24, v4;
	v24 =	vld [tilespmem:s17+$0x340];
	[tilespmem:v16+s17+$0x3C0 ss:$0x1] =	vst.idx.msk $0xffff, v18  }
0xd2: {  	[tilespmem:v16+s17+$0x40 ss:$0x1] =	vst.idx.msk $0xffff, v19;
	v18 =	vadd.f32 v22, v4;
	v19 =	vld [tilespmem:s17+$0x3D0]  }
0xd3: {  	v22 =	vld [tilespmem:s17+$0x50];
	[tilespmem:v16+s17+$0xC0 ss:$0x1] =	vst.idx.msk $0xffff, v17;
	v17 =	vadd.f32 v20, v4  }
0xd4: {  	v20 =	vld [tilespmem:s17+$0xD0];
	[tilespmem:v16+s17+$0x140 ss:$0x1] =	vst.idx.msk $0xffff, v18;
	v18 =	vadd.f32 v23, v4  }
0xd5: {  	v23 =	vld [tilespmem:s17+$0x150];
	[tilespmem:v16+s17+$0x1C0 ss:$0x1] =	vst.idx.msk $0xffff, v17;
	v17 =	vadd.f32 v21, v4  }
0xd6: {  	v21 =	vld [tilespmem:s17+$0x1D0];
	[tilespmem:v16+s17+$0x240 ss:$0x1] =	vst.idx.msk $0xffff, v18;
	v18 =	vadd.f32 v24, v4  }
0xd7: {  	v24 =	vld [tilespmem:s17+$0x250];
	[tilespmem:v16+s17+$0x2C0 ss:$0x1] =	vst.idx.msk $0xffff, v17;
	v17 =	vadd.f32 v19, v5  }
0xd8: {  	v19 =	vadd.f32 v22, v5;
	v22 =	vld [tilespmem:s17+$0x2D0];
	[tilespmem:v16+s17+$0x340 ss:$0x1] =	vst.idx.msk $0xffff, v18  }
0xd9: {  	v18 =	vadd.f32 v20, v5;
	v20 =	vld [tilespmem:s17+$0x350];
	[tilespmem:v16+s17+$0x3D0 ss:$0x1] =	vst.idx.msk $0xffff, v17  }
0xda: {  	[tilespmem:v16+s17+$0x50 ss:$0x1] =	vst.idx.msk $0xffff, v19;
	v17 =	vadd.f32 v23, v5;
	v19 =	vld [tilespmem:s17+$0x3E0]  }
0xdb: {  	v23 =	vld [tilespmem:s17+$0x60];
	[tilespmem:v16+s17+$0xD0 ss:$0x1] =	vst.idx.msk $0xffff, v18;
	v18 =	vadd.f32 v21, v5  }
0xdc: {  	v21 =	vld [tilespmem:s17+$0xE0];
	[tilespmem:v16+s17+$0x150 ss:$0x1] =	vst.idx.msk $0xffff, v17;
	v17 =	vadd.f32 v24, v5  }
0xdd: {  	v24 =	vld [tilespmem:s17+$0x160];
	[tilespmem:v16+s17+$0x1D0 ss:$0x1] =	vst.idx.msk $0xffff, v18;
	v18 =	vadd.f32 v22, v5  }
0xde: {  	v22 =	vld [tilespmem:s17+$0x1E0];
	[tilespmem:v16+s17+$0x250 ss:$0x1] =	vst.idx.msk $0xffff, v17;
	v17 =	vadd.f32 v20, v5  }
0xdf: {  	v20 =	vld [tilespmem:s17+$0x260];
	[tilespmem:v16+s17+$0x2D0 ss:$0x1] =	vst.idx.msk $0xffff, v18;
	v18 =	vadd.f32 v19, v6  }
0xe0: {  	v19 =	vadd.f32 v23, v6;
	v23 =	vld [tilespmem:s17+$0x2E0];
	[tilespmem:v16+s17+$0x350 ss:$0x1] =	vst.idx.msk $0xffff, v17  }
0xe1: {  	v17 =	vadd.f32 v21, v6;
	v21 =	vld [tilespmem:s17+$0x360];
	[tilespmem:v16+s17+$0x3E0 ss:$0x1] =	vst.idx.msk $0xffff, v18  }
0xe2: {  	[tilespmem:v16+s17+$0x60 ss:$0x1] =	vst.idx.msk $0xffff, v19;
	v18 =	vadd.f32 v24, v6;
	v19 =	vld [tilespmem:s17+$0x3F0]  }
0xe3: {  	v24 =	vld [tilespmem:s17+$0x70];
	[tilespmem:v16+s17+$0xE0 ss:$0x1] =	vst.idx.msk $0xffff, v17;
	v17 =	vadd.f32 v22, v6  }
0xe4: {  	v22 =	vld [tilespmem:s17+$0xF0];
	[tilespmem:v16+s17+$0x160 ss:$0x1] =	vst.idx.msk $0xffff, v18;
	v18 =	vadd.f32 v20, v6  }
0xe5: {  	v20 =	vld [tilespmem:s17+$0x170];
	[tilespmem:v16+s17+$0x1E0 ss:$0x1] =	vst.idx.msk $0xffff, v17;
	v17 =	vadd.f32 v23, v6  }
0xe6: {  	v23 =	vld [tilespmem:s17+$0x1F0];
	[tilespmem:v16+s17+$0x260 ss:$0x1] =	vst.idx.msk $0xffff, v18;
	v18 =	vadd.f32 v21, v6  }
0xe7: {  	v21 =	vld [tilespmem:s17+$0x270];
	[tilespmem:v16+s17+$0x2E0 ss:$0x1] =	vst.idx.msk $0xffff, v17;
	v17 =	vadd.f32 v19, v7  }
0xe8: {  	v19 =	vadd.f32 v24, v7;
	v24 =	vld [tilespmem:s17+$0x2F0];
	[tilespmem:v16+s17+$0x360 ss:$0x1] =	vst.idx.msk $0xffff, v18  }
0xe9: {  	v18 =	vadd.f32 v22, v7;
	v22 =	vld [tilespmem:s17+$0x370];
	[tilespmem:v16+s17+$0x3F0 ss:$0x1] =	vst.idx.msk $0xffff, v17  }
0xea: {  	[tilespmem:v16+s17+$0x70 ss:$0x1] =	vst.idx.msk $0xffff, v19;
	v17 =	vadd.f32 v20, v7;
	v19 =	vld [tilespmem:s17+$0x780]  }
0xeb: {  	v20 =	vld [tilespmem:s17+$0x400];
	[tilespmem:v16+s17+$0xF0 ss:$0x1] =	vst.idx.msk $0xffff, v18;
	v18 =	vadd.f32 v23, v7  }
0xec: {  	v23 =	vld [tilespmem:s17+$0x480];
	[tilespmem:v16+s17+$0x170 ss:$0x1] =	vst.idx.msk $0xffff, v17;
	v17 =	vadd.f32 v21, v7  }
0xed: {  	v21 =	vld [tilespmem:s17+$0x500];
	[tilespmem:v16+s17+$0x1F0 ss:$0x1] =	vst.idx.msk $0xffff, v18;
	v18 =	vadd.f32 v24, v7  }
0xee: {  	v24 =	vld [tilespmem:s17+$0x580];
	[tilespmem:v16+s17+$0x270 ss:$0x1] =	vst.idx.msk $0xffff, v17;
	v17 =	vadd.f32 v22, v7  }
0xef: {  	v22 =	vld [tilespmem:s17+$0x600];
	[tilespmem:v16+s17+$0x2F0 ss:$0x1] =	vst.idx.msk $0xffff, v18;
	v18 =	vadd.f32 v19, v8  }
0xf0: {  	v19 =	vadd.f32 v20, v8;
	v20 =	vld [tilespmem:s17+$0x680];
	[tilespmem:v16+s17+$0x370 ss:$0x1] =	vst.idx.msk $0xffff, v17  }
0xf1: {  	v17 =	vadd.f32 v23, v8;
	v23 =	vld [tilespmem:s17+$0x700];
	[tilespmem:v16+s17+$0x780 ss:$0x1] =	vst.idx.msk $0xffff, v18  }
0xf2: {  	[tilespmem:v16+s17+$0x400 ss:$0x1] =	vst.idx.msk $0xffff, v19;
	v18 =	vadd.f32 v21, v8;
	v19 =	vld [tilespmem:s17+$0x790]  }
0xf3: {  	v21 =	vld [tilespmem:s17+$0x410];
	[tilespmem:v16+s17+$0x480 ss:$0x1] =	vst.idx.msk $0xffff, v17;
	v17 =	vadd.f32 v24, v8  }
0xf4: {  	v24 =	vld [tilespmem:s17+$0x490];
	[tilespmem:v16+s17+$0x500 ss:$0x1] =	vst.idx.msk $0xffff, v18;
	v18 =	vadd.f32 v22, v8  }
0xf5: {  	v22 =	vld [tilespmem:s17+$0x510];
	[tilespmem:v16+s17+$0x580 ss:$0x1] =	vst.idx.msk $0xffff, v17;
	v17 =	vadd.f32 v20, v8  }
0xf6: {  	v20 =	vld [tilespmem:s17+$0x590];
	[tilespmem:v16+s17+$0x600 ss:$0x1] =	vst.idx.msk $0xffff, v18;
	v18 =	vadd.f32 v23, v8  }
0xf7: {  	v23 =	vld [tilespmem:s17+$0x610];
	[tilespmem:v16+s17+$0x680 ss:$0x1] =	vst.idx.msk $0xffff, v17;
	v17 =	vadd.f32 v19, v9  }
0xf8: {  	v19 =	vadd.f32 v21, v9;
	v21 =	vld [tilespmem:s17+$0x690];
	[tilespmem:v16+s17+$0x700 ss:$0x1] =	vst.idx.msk $0xffff, v18  }
0xf9: {  	v18 =	vadd.f32 v24, v9;
	v24 =	vld [tilespmem:s17+$0x710];
	[tilespmem:v16+s17+$0x790 ss:$0x1] =	vst.idx.msk $0xffff, v17  }
0xfa: {  	[tilespmem:v16+s17+$0x410 ss:$0x1] =	vst.idx.msk $0xffff, v19;
	v17 =	vadd.f32 v22, v9;
	v19 =	vld [tilespmem:s17+$0x7A0]  }
0xfb: {  	v22 =	vld [tilespmem:s17+$0x420];
	[tilespmem:v16+s17+$0x490 ss:$0x1] =	vst.idx.msk $0xffff, v18;
	v18 =	vadd.f32 v20, v9  }
0xfc: {  	v20 =	vld [tilespmem:s17+$0x4A0];
	[tilespmem:v16+s17+$0x510 ss:$0x1] =	vst.idx.msk $0xffff, v17;
	v17 =	vadd.f32 v23, v9  }
0xfd: {  	v23 =	vld [tilespmem:s17+$0x520];
	[tilespmem:v16+s17+$0x590 ss:$0x1] =	vst.idx.msk $0xffff, v18;
	v18 =	vadd.f32 v21, v9  }
0xfe: {  	v21 =	vld [tilespmem:s17+$0x5A0];
	[tilespmem:v16+s17+$0x610 ss:$0x1] =	vst.idx.msk $0xffff, v17;
	v17 =	vadd.f32 v24, v9  }
0xff: {  	v24 =	vld [tilespmem:s17+$0x620];
	[tilespmem:v16+s17+$0x690 ss:$0x1] =	vst.idx.msk $0xffff, v18;
	v18 =	vadd.f32 v19, v10  }
0x100: {  	v19 =	vadd.f32 v22, v10;
	v22 =	vld [tilespmem:s17+$0x6A0];
	[tilespmem:v16+s17+$0x710 ss:$0x1] =	vst.idx.msk $0xffff, v17  }
0x101: {  	v17 =	vadd.f32 v20, v10;
	v20 =	vld [tilespmem:s17+$0x720];
	[tilespmem:v16+s17+$0x7A0 ss:$0x1] =	vst.idx.msk $0xffff, v18  }
0x102: {  	[tilespmem:v16+s17+$0x420 ss:$0x1] =	vst.idx.msk $0xffff, v19;
	v18 =	vadd.f32 v23, v10;
	v19 =	vld [tilespmem:s17+$0x7B0]  }
0x103: {  	v23 =	vld [tilespmem:s17+$0x430];
	[tilespmem:v16+s17+$0x4A0 ss:$0x1] =	vst.idx.msk $0xffff, v17;
	v17 =	vadd.f32 v21, v10  }
0x104: {  	v21 =	vld [tilespmem:s17+$0x4B0];
	[tilespmem:v16+s17+$0x520 ss:$0x1] =	vst.idx.msk $0xffff, v18;
	v18 =	vadd.f32 v24, v10  }
0x105: {  	v24 =	vld [tilespmem:s17+$0x530];
	[tilespmem:v16+s17+$0x5A0 ss:$0x1] =	vst.idx.msk $0xffff, v17;
	v17 =	vadd.f32 v22, v10  }
0x106: {  	v22 =	vld [tilespmem:s17+$0x5B0];
	[tilespmem:v16+s17+$0x620 ss:$0x1] =	vst.idx.msk $0xffff, v18;
	v18 =	vadd.f32 v20, v10  }
0x107: {  	v20 =	vld [tilespmem:s17+$0x630];
	[tilespmem:v16+s17+$0x6A0 ss:$0x1] =	vst.idx.msk $0xffff, v17;
	v17 =	vadd.f32 v19, v11  }
0x108: {  	v19 =	vadd.f32 v23, v11;
	v23 =	vld [tilespmem:s17+$0x6B0];
	[tilespmem:v16+s17+$0x720 ss:$0x1] =	vst.idx.msk $0xffff, v18  }
0x109: {  	v18 =	vadd.f32 v21, v11;
	v21 =	vld [tilespmem:s17+$0x730];
	[tilespmem:v16+s17+$0x7B0 ss:$0x1] =	vst.idx.msk $0xffff, v17  }
0x10a: {  	[tilespmem:v16+s17+$0x430 ss:$0x1] =	vst.idx.msk $0xffff, v19;
	v17 =	vadd.f32 v24, v11;
	v19 =	vld [tilespmem:s17+$0x7C0]  }
0x10b: {  	v24 =	vld [tilespmem:s17+$0x440];
	[tilespmem:v16+s17+$0x4B0 ss:$0x1] =	vst.idx.msk $0xffff, v18;
	v18 =	vadd.f32 v22, v11  }
0x10c: {  	v22 =	vld [tilespmem:s17+$0x4C0];
	[tilespmem:v16+s17+$0x530 ss:$0x1] =	vst.idx.msk $0xffff, v17;
	v17 =	vadd.f32 v20, v11  }
0x10d: {  	v20 =	vld [tilespmem:s17+$0x540];
	[tilespmem:v16+s17+$0x5B0 ss:$0x1] =	vst.idx.msk $0xffff, v18;
	v18 =	vadd.f32 v23, v11  }
0x10e: {  	v23 =	vld [tilespmem:s17+$0x5C0];
	[tilespmem:v16+s17+$0x630 ss:$0x1] =	vst.idx.msk $0xffff, v17;
	v17 =	vadd.f32 v21, v11  }
0x10f: {  	v21 =	vld [tilespmem:s17+$0x640];
	[tilespmem:v16+s17+$0x6B0 ss:$0x1] =	vst.idx.msk $0xffff, v18;
	v18 =	vadd.f32 v19, v12  }
0x110: {  	v19 =	vadd.f32 v24, v12;
	v24 =	vld [tilespmem:s17+$0x6C0];
	[tilespmem:v16+s17+$0x730 ss:$0x1] =	vst.idx.msk $0xffff, v17  }
0x111: {  	v17 =	vadd.f32 v22, v12;
	v22 =	vld [tilespmem:s17+$0x740];
	[tilespmem:v16+s17+$0x7C0 ss:$0x1] =	vst.idx.msk $0xffff, v18  }
0x112: {  	[tilespmem:v16+s17+$0x440 ss:$0x1] =	vst.idx.msk $0xffff, v19;
	v18 =	vadd.f32 v20, v12;
	v19 =	vld [tilespmem:s17+$0x7D0]  }
0x113: {  	v20 =	vld [tilespmem:s17+$0x450];
	[tilespmem:v16+s17+$0x4C0 ss:$0x1] =	vst.idx.msk $0xffff, v17;
	v17 =	vadd.f32 v23, v12  }
0x114: {  	v23 =	vld [tilespmem:s17+$0x4D0];
	[tilespmem:v16+s17+$0x540 ss:$0x1] =	vst.idx.msk $0xffff, v18;
	v18 =	vadd.f32 v21, v12  }
0x115: {  	v21 =	vld [tilespmem:s17+$0x550];
	[tilespmem:v16+s17+$0x5C0 ss:$0x1] =	vst.idx.msk $0xffff, v17;
	v17 =	vadd.f32 v24, v12  }
0x116: {  	v24 =	vld [tilespmem:s17+$0x5D0];
	[tilespmem:v16+s17+$0x640 ss:$0x1] =	vst.idx.msk $0xffff, v18;
	v18 =	vadd.f32 v22, v12  }
0x117: {  	v22 =	vld [tilespmem:s17+$0x650];
	[tilespmem:v16+s17+$0x6C0 ss:$0x1] =	vst.idx.msk $0xffff, v17;
	v17 =	vadd.f32 v19, v13  }
0x118: {  	v19 =	vadd.f32 v20, v13;
	v20 =	vld [tilespmem:s17+$0x6D0];
	[tilespmem:v16+s17+$0x740 ss:$0x1] =	vst.idx.msk $0xffff, v18  }
0x119: {  	v18 =	vadd.f32 v23, v13;
	v23 =	vld [tilespmem:s17+$0x750];
	[tilespmem:v16+s17+$0x7D0 ss:$0x1] =	vst.idx.msk $0xffff, v17  }
0x11a: {  	[tilespmem:v16+s17+$0x450 ss:$0x1] =	vst.idx.msk $0xffff, v19;
	v17 =	vadd.f32 v21, v13;
	v19 =	vld [tilespmem:s17+$0x7E0]  }
0x11b: {  	v21 =	vld [tilespmem:s17+$0x460];
	[tilespmem:v16+s17+$0x4D0 ss:$0x1] =	vst.idx.msk $0xffff, v18;
	v18 =	vadd.f32 v24, v13  }
0x11c: {  	v24 =	vld [tilespmem:s17+$0x4E0];
	[tilespmem:v16+s17+$0x550 ss:$0x1] =	vst.idx.msk $0xffff, v17;
	v17 =	vadd.f32 v22, v13  }
0x11d: {  	v22 =	vld [tilespmem:s17+$0x560];
	[tilespmem:v16+s17+$0x5D0 ss:$0x1] =	vst.idx.msk $0xffff, v18;
	v18 =	vadd.f32 v20, v13  }
0x11e: {  	v20 =	vld [tilespmem:s17+$0x5E0];
	[tilespmem:v16+s17+$0x650 ss:$0x1] =	vst.idx.msk $0xffff, v17;
	v17 =	vadd.f32 v23, v13  }
0x11f: {  	v23 =	vld [tilespmem:s17+$0x660];
	[tilespmem:v16+s17+$0x6D0 ss:$0x1] =	vst.idx.msk $0xffff, v18;
	v18 =	vadd.f32 v19, v14  }
0x120: {  	v19 =	vadd.f32 v21, v14;
	v21 =	vld [tilespmem:s17+$0x6E0];
	[tilespmem:v16+s17+$0x750 ss:$0x1] =	vst.idx.msk $0xffff, v17  }
0x121: {  	v17 =	vadd.f32 v24, v14;
	v24 =	vld [tilespmem:s17+$0x760];
	[tilespmem:v16+s17+$0x7E0 ss:$0x1] =	vst.idx.msk $0xffff, v18  }
0x122: {  	[tilespmem:v16+s17+$0x460 ss:$0x1] =	vst.idx.msk $0xffff, v19;
	v18 =	vadd.f32 v22, v14;
	v22 =	vld [tilespmem:s17+$0x7F0]  }
0x123: {  	v25 =	vld [tilespmem:s17+$0x470];
	[tilespmem:v16+s17+$0x4E0 ss:$0x1] =	vst.idx.msk $0xffff, v17;
	v20 =	vadd.f32 v20, v14  }
.Ltmp0:
0x124: {  	v19 =	vld [tilespmem:s17+$0x4F0];
	[tilespmem:v16+s17+$0x560 ss:$0x1] =	vst.idx.msk $0xffff, v18;
	v23 =	vadd.f32 v23, v14;
	(pc) =	sbr.rel @p1 .LBB2_3-.Ltmp0, $4  }
0x125: {  	v17 =	vld [tilespmem:s17+$0x570];
	[tilespmem:v16+s17+$0x5E0 ss:$0x1] =	vst.idx.msk $0xffff, v20;
	v21 =	vadd.f32 v21, v14  }
0x126: {  	v18 =	vld [tilespmem:s17+$0x5F0];
	[tilespmem:v16+s17+$0x660 ss:$0x1] =	vst.idx.msk $0xffff, v23;
	v24 =	vadd.f32 v24, v14  }
0x127: {  	v20 =	vld [tilespmem:s17+$0x670];
	[tilespmem:v16+s17+$0x6E0 ss:$0x1] =	vst.idx.msk $0xffff, v21;
	v23 =	vadd.f32 v22, v15  }
0x128: {  	s20 =	sadd.s32 $0x8, s20;
	v22 =	vadd.f32 v25, v15;
	v21 =	vld [tilespmem:s17+$0x6F0];
	[tilespmem:v16+s17+$0x760 ss:$0x1] =	vst.idx.msk $0xffff, v24  }
0x129: {  	_ =	sdelay $0x3  }
0x12a: {  	v19 =	vadd.f32 v19, v15;
	v24 =	vld [tilespmem:s17+$0x770];
	[tilespmem:v16+s17+$0x7F0 ss:$0x1] =	vst.idx.msk $0xffff, v23  }
0x12b: {  	[tilespmem:v16+s17+$0x470 ss:$0x1] =	vst.idx.msk $0xffff, v22;
	v17 =	vadd.f32 v17, v15  }
0x12c: {  	[tilespmem:v16+s17+$0x4F0 ss:$0x1] =	vst.idx.msk $0xffff, v19;
	v18 =	vadd.f32 v18, v15  }
0x12d: {  	[tilespmem:v16+s17+$0x570 ss:$0x1] =	vst.idx.msk $0xffff, v17;
	v17 =	vadd.f32 v20, v15  }
0x12e: {  	[tilespmem:v16+s17+$0x5F0 ss:$0x1] =	vst.idx.msk $0xffff, v18;
	v63 =	vadd.f32 v21, v15  }
0x12f: {  	[tilespmem:v16+s17+$0x670 ss:$0x1] =	vst.idx.msk $0xffff, v17;
	v17 =	vadd.f32 v24, v15  }
0x130: {  	[tilespmem:v16+s17+$0x6F0 ss:$0x1] =	vst.idx.msk $0xffff, v63  }
0x131: {  	[tilespmem:v16+s17+$0x770 ss:$0x1] =	vst.idx.msk $0xffff, v17  }
.LBB2_5:
0x132: {  	s17 =	sshra.s32 s19, $0x2  }
0x133: {  	v16 =	vld [tilespmem:s17+$0x3000];
	_ =	sdelay $0x4  }
0x134: {  	v16 =	vadd.f32 v16, v0  }
0x135: {  	s20 =	sadd.s32 s17, s18  }
0x136: {  	[tilespmem:s20+$0xFFFFFB90] =	vst v16  }
0x137: {  	v16 =	vld [tilespmem:s17+$0x3010];
	_ =	sdelay $0x4  }
0x138: {  	v16 =	vadd.f32 v16, v1;
	_ =	sdelay $0x1  }
0x139: {  	[tilespmem:s20+$0xFFFFFBA0] =	vst v16  }
0x13a: {  	v16 =	vld [tilespmem:s17+$0x3020];
	_ =	sdelay $0x4  }
0x13b: {  	v16 =	vadd.f32 v16, v2;
	_ =	sdelay $0x1  }
0x13c: {  	[tilespmem:s20+$0xFFFFFBB0] =	vst v16  }
0x13d: {  	v16 =	vld [tilespmem:s17+$0x3030];
	_ =	sdelay $0x4  }
0x13e: {  	v16 =	vadd.f32 v16, v3;
	_ =	sdelay $0x1  }
0x13f: {  	[tilespmem:s20+$0xFFFFFBC0] =	vst v16  }
0x140: {  	v16 =	vld [tilespmem:s17+$0x3040];
	_ =	sdelay $0x4  }
0x141: {  	v16 =	vadd.f32 v16, v4;
	_ =	sdelay $0x1  }
0x142: {  	[tilespmem:s20+$0xFFFFFBD0] =	vst v16  }
0x143: {  	v16 =	vld [tilespmem:s17+$0x3050];
	_ =	sdelay $0x4  }
0x144: {  	v16 =	vadd.f32 v16, v5;
	_ =	sdelay $0x1  }
0x145: {  	[tilespmem:s20+$0xFFFFFBE0] =	vst v16  }
0x146: {  	v16 =	vld [tilespmem:s17+$0x3060];
	_ =	sdelay $0x4  }
0x147: {  	v16 =	vadd.f32 v16, v6;
	_ =	sdelay $0x1  }
0x148: {  	[tilespmem:s20+$0xFFFFFBF0] =	vst v16  }
0x149: {  	v16 =	vld [tilespmem:s17+$0x3070];
	_ =	sdelay $0x4  }
0x14a: {  	v16 =	vadd.f32 v16, v7;
	_ =	sdelay $0x1  }
0x14b: {  	[tilespmem:s20+$0xFFFFFC00] =	vst v16  }
0x14c: {  	v16 =	vld [tilespmem:s17+$0x3400];
	_ =	sdelay $0x4  }
0x14d: {  	v16 =	vadd.f32 v16, v8;
	_ =	sdelay $0x1  }
0x14e: {  	[tilespmem:s20+$0xFFFFFF90] =	vst v16  }
0x14f: {  	v16 =	vld [tilespmem:s17+$0x3410];
	_ =	sdelay $0x4  }
0x150: {  	v16 =	vadd.f32 v16, v9;
	_ =	sdelay $0x1  }
0x151: {  	[tilespmem:s20+$0xFFFFFFA0] =	vst v16  }
0x152: {  	v16 =	vld [tilespmem:s17+$0x3420];
	_ =	sdelay $0x4  }
0x153: {  	v16 =	vadd.f32 v16, v10;
	_ =	sdelay $0x1  }
0x154: {  	[tilespmem:s20+$0xFFFFFFB0] =	vst v16  }
0x155: {  	v16 =	vld [tilespmem:s17+$0x3430];
	_ =	sdelay $0x4  }
0x156: {  	v16 =	vadd.f32 v16, v11;
	_ =	sdelay $0x1  }
0x157: {  	[tilespmem:s20+$0xFFFFFFC0] =	vst v16  }
0x158: {  	v16 =	vld [tilespmem:s17+$0x3440];
	_ =	sdelay $0x4  }
0x159: {  	v16 =	vadd.f32 v16, v12;
	_ =	sdelay $0x1  }
0x15a: {  	[tilespmem:s20+$0xFFFFFFD0] =	vst v16  }
0x15b: {  	v16 =	vld [tilespmem:s17+$0x3450];
	_ =	sdelay $0x4  }
0x15c: {  	v16 =	vadd.f32 v16, v13;
	_ =	sdelay $0x1  }
0x15d: {  	[tilespmem:s20+$0xFFFFFFE0] =	vst v16  }
0x15e: {  	v16 =	vld [tilespmem:s17+$0x3460];
	_ =	sdelay $0x4  }
0x15f: {  	v16 =	vadd.f32 v16, v14;
	_ =	sdelay $0x1  }
0x160: {  	[tilespmem:s20+$0xFFFFFFF0] =	vst v16  }
0x161: {  	v16 =	vld [tilespmem:s17+$0x3470];
	_ =	sdelay $0x1  }
0x162: {  	p1 =	sne.s32 s19, $0x200  }
.Ltmp1:
0x163: {  	_ = 	snop;
	(pc) =	sbr.rel @p1 .LBB2_5-.Ltmp1, $3  }
0x164: {  	_ = 	snop  }
0x165: {  	v16 =	vadd.f32 v16, v15;
	_ =	sdelay $0x1  }
0x166: {  	s19 =	sadd.s32 $0x200, s19;
	[tilespmem:s20+$0x0] =	vst v16  }
0x167: {  	s17 =	sadd.s32 s4, s14;
	s14 =	sadd.s32 $0x1, s14  }
0x168: {  	s17 =	smul.u32 $0x3800, s17;
	p1 =	sne.s32 s14, $0x40  }
.Ltmp2:
0x169: {  	_ = 	snop;
	(pc) =	sbr.rel @p1 .LBB2_2-.Ltmp2, $4  }
0x16a: {  	s17 =	sadd.s32 s7, s17  }
0x16b: {  	s17 =	sshrl.u32 s17, $0x3  }
0x16c: {  	s15 =	sadd.s32 $0x1, s15;
	p0 =	por !p0, !p0;
	s17 =	sadd.s32 s3, s17  }
0x16d: {  	[hbm4b:s17+s2] =	stream.linear.scatter [tilespmem:s16], [sflag:s15], $0x3800, $0x38;
	[tilespmem:$0xE800] =	vst v63  }
0x16e: {  	s13 =	sadd.s32 $0x1, s13  }
0x16f: {  	_ =	swait.ge [sflag:s11], $0x3800;
	p0 =	sne.s32 s13, s8  }
.Ltmp3:
0x170: {  	[sflag:s11] =	ssyncset.done $0x0;
	(pc) =	sbr.rel @p0 .LBB2_1-.Ltmp3, $4  }
0x171: {  	[sflag:s11] =	ssyncadd.s32 $0xFFFFC800  }
0x172: {  	_ =	swait.ge [sflag:s12], $0x3800  }
0x173: {  	[sflag:s12] =	ssyncset.done $0x0  }
0x174: {  	[sflag:s12] =	ssyncadd.s32 $0xFFFFC800  }
0x175: {  	_ =	sfence.sel $0x180000  }
0x176: {  	[bflag:$0x0] =	sbarrier.arrive $0xFFFF  }
0x177: {  	p0 =	sne.s32 s1, $0x0;
	_ =	strace $0x90000047  }
0x178: {  	s0 =	sadd.s32 @!p0 $0x100000, s0;
	[bflag:$0x2] =	sbarrier.arrive $0xFFFF  }
0x179: {  	[sflag:s0] =	ssyncadd.tile.s32 @!p0 $0x1;
	_ =	shalt  }
.Lfunc_end2:
_tile_overlayer_lowered:
.L_overlay_start_2:
0x17a: {  	(tag) =	ssettag $0x2  }
0x17b: {  	s0 =	rddreg [dreg:$0x0];
	s2 =	stileid.u32  }
0x17c: {  	s1 =	rddreg [dreg:$0x1];
	p0 =	sne.s32 s2, $0x0  }
0x17d: {  	s3 =	rddreg [dreg:$0x2];
	[bflag:$0x3] =	sbarrier.arrive $0xFFFF;
	s2 =	simm.s32 @!p0 $0x1C03  }
0x17e: {  	[timem:s3], [sflag:s2] =	dma.local @!p0 [hbm:s0], s1  }
0x17f: {  	s0 =	simm.s32 @!p0 $0x3  }
0x180: {  	_ =	swait.ge @!p0 [sflag:s0], s1  }
0x181: {  	s1 =	ssub.s32 @!p0 $0x0, s1;
	[sflag:s0] =	ssyncset.done @!p0 $0x0  }
0x182: {  	[sflag:s0] =	ssyncadd.s32 @!p0 s1  }
0x183: {  	[bflag:$0x3] =	sbarrier.arrive $0xFFFF  }
0x184: {  	_ =	shalt  }

</sc_bundles>
